<compile_context>
chip_gen: v7x
topology: tpu7x:2x2x1
jax: 0.10.2.dev20260603
libtpu: 0.0.44.dev20260713+nightly
codegen_flags: <defaults>
</compile_context>

<pallas_src>
import functools

import jax
import jax.numpy as jnp
from jax import lax
from jax.experimental import pallas as pl
from jax.experimental.pallas import tpu as pltpu
from jax.experimental.pallas import tpu_sc as plsc

B = 16384
D = 32

_info = plsc.get_sparse_core_info()
NC, NS, L = _info.num_cores, _info.num_subcores, _info.num_lanes
NW = NC * NS
BPW = B // NW
RING = 12


def _mf_body(bu_hbm, bi_hbm, pt_hbm, qt_hbm, out_hbm,
             idx_u, idx_i, pslab, qslab, out_v, semp, semq):
    wid = lax.axis_index("s") * NC + lax.axis_index("c")
    base = wid * BPW
    pltpu.sync_copy(bu_hbm.at[pl.ds(base, BPW)], idx_u)
    pltpu.sync_copy(bi_hbm.at[pl.ds(base, BPW)], idx_i)

    lane = lax.iota(jnp.int32, L)
    dlo = lane
    dhi = lane + L
    perms = [lane ^ o for o in (8, 4, 2, 1)]

    def permute(v, perm):
        return lax.gather(
            v, perm[:, None],
            lax.GatherDimensionNumbers(
                offset_dims=(), collapsed_slice_dims=(0,), start_index_map=(0,)),
            slice_sizes=(1,),
            mode=lax.GatherScatterMode.PROMISE_IN_BOUNDS)

    def read_idx(ref, j):
        vec = ref[pl.ds((j >> 4) * L, L)]
        sel = permute(vec, jnp.full((L,), j & (L - 1), jnp.int32))
        return sel[0]

    def fire(j, slot):
        r_u = read_idx(idx_u, j)
        r_i = read_idx(idx_i, j)
        au = pl.multiple_of((r_u >> 7) << 7, 128)
        ai = pl.multiple_of((r_i >> 7) << 7, 128)
        pltpu.async_copy(pt_hbm.at[:, pl.ds(au, 128)], pslab.at[slot], semp)
        pltpu.async_copy(qt_hbm.at[:, pl.ds(ai, 128)], qslab.at[slot], semq)

    def drain(slot):
        pltpu.make_async_copy(
            pt_hbm.at[:, pl.ds(0, 128)], pslab.at[slot], semp).wait()
        pltpu.make_async_copy(
            qt_hbm.at[:, pl.ds(0, 128)], qslab.at[slot], semq).wait()

    for j in range(RING):
        fire(j, j)

    def body(j, acc):
        slot = lax.rem(j, RING)
        drain(slot)
        r_u = read_idx(idx_u, j)
        r_i = read_idx(idx_i, j)
        lu = jnp.full((L,), r_u & 127, jnp.int32)
        li = jnp.full((L,), r_i & 127, jnp.int32)
        p0 = plsc.load_gather(pslab.at[slot], [dlo, lu])
        p1 = plsc.load_gather(pslab.at[slot], [dhi, lu])
        q0 = plsc.load_gather(qslab.at[slot], [dlo, li])
        q1 = plsc.load_gather(qslab.at[slot], [dhi, li])
        prod = p0 * q0 + p1 * q1
        for perm in perms:
            prod = prod + permute(prod, perm)
        acc = jnp.where(lane == (j & (L - 1)), prod, acc)

        @pl.when((j & (L - 1)) == (L - 1))
        def _store():
            out_v[pl.ds((j >> 4) * L, L)] = acc

        acc = jnp.where((j & (L - 1)) == (L - 1), jnp.zeros((L,), jnp.float32),
                        acc)

        @pl.when(j + RING < BPW)
        def _fire():
            fire(j + RING, slot)

        return acc

    lax.fori_loop(0, BPW, body, jnp.zeros((L,), jnp.float32))
    pltpu.sync_copy(out_v, out_hbm.at[pl.ds(base, BPW)])


@functools.partial(
    pl.kernel,
    mesh=plsc.VectorSubcoreMesh(core_axis_name="c", subcore_axis_name="s"),
    out_type=jax.ShapeDtypeStruct((B,), jnp.float32),
    scratch_types=[
        pltpu.VMEM((BPW,), jnp.int32),
        pltpu.VMEM((BPW,), jnp.int32),
        pltpu.VMEM((RING, D, 128), jnp.float32),
        pltpu.VMEM((RING, D, 128), jnp.float32),
        pltpu.VMEM((BPW,), jnp.float32),
        pltpu.SemaphoreType.DMA,
        pltpu.SemaphoreType.DMA,
    ],
    compiler_params=pltpu.CompilerParams(
        use_tc_tiling_on_sc=True, needs_layout_passes=False),
)
def _mf_sc(bu, bi, pt, qt, out, *scratch):
    _mf_body(bu, bi, pt, qt, out, *scratch)


def kernel(b_users, b_items, P, Q):
    out = _mf_sc(b_users.astype(jnp.int32), b_items.astype(jnp.int32),
                 P.T, Q.T)
    return out[:, None]

# --- scband reference (transcript-rebuilt; emitter-appended) ---
"""Pipeline reference for scband-mf-3848290697636 (READ-ONLY COPY).

The authoritative reference and input builder live on the scoring server;
editing this copy changes nothing except your own understanding.
"""

import jax, jax.numpy as jnp
import numpy as np

B = 16384
U = 1000000
I = 1000000
D = 32

def setup_inputs(seed: int = 0) -> dict:
    key = jax.random.key(seed)
    k1, k2, k3, k4 = jax.random.split(key, 4)
    b_users = jax.random.randint(k1, (B,), 0, U)
    b_items = jax.random.randint(k2, (B,), 0, I)
    P = jax.random.normal(k3, (U, D), dtype=jnp.float32) * 0.01
    Q = jax.random.normal(k4, (I, D), dtype=jnp.float32) * 0.01
    return {"b_users": b_users, "b_items": b_items, "P": P, "Q": Q}

def reference(b_users, b_items, P, Q):
    # p = self.P(b_users).unsqueeze(1) -> (B, 1, D)
    p = jnp.take(P, b_users, axis=0)[:, None, :]
    # q = self.Q(b_items).unsqueeze(2) -> (B, D, 1)
    q = jnp.take(Q, b_items, axis=0)[:, :, None]
    # bmm -> (B, 1, 1); squeeze(-1) -> (B, 1)
    pred = jnp.matmul(p, q)[..., 0]
    # use_bias == False, so return pred directly
    return pred

if __name__ == "__main__":
    import jax
    _d = setup_inputs()
    print(jax.jit(kernel)(*tuple(_d.values())))

</pallas_src>

<mosaic_0001>
#map = affine_map<(d0, d1) -> (0)>
#map1 = affine_map<(d0, d1) -> (0, 0)>
module attributes {stable_mosaic.version = 14 : i64} {
  func.func @_mf_sc(%arg0: i32, %arg1: i32, %arg2: memref<16384xi32, #tpu.memory_space<hbm>>, %arg3: memref<16384xi32, #tpu.memory_space<hbm>>, %arg4: memref<32x1000000xf32, #tpu.memory_space<hbm>>, %arg5: memref<32x1000000xf32, #tpu.memory_space<hbm>>, %arg6: memref<16384xf32, #tpu.memory_space<hbm>>, %arg7: memref<512xi32, #tpu.memory_space<vmem>>, %arg8: memref<512xi32, #tpu.memory_space<vmem>>, %arg9: memref<12x32x128xf32, #tpu.memory_space<vmem>>, %arg10: memref<12x32x128xf32, #tpu.memory_space<vmem>>, %arg11: memref<512xf32, #tpu.memory_space<vmem>>, %arg12: memref<!tpu.dma_semaphore, #tpu.memory_space<semaphore_mem>>, %arg13: memref<!tpu.dma_semaphore, #tpu.memory_space<semaphore_mem>>) attributes {dimension_semantics = [#tpu.dimension_semantics<core_parallel>, #tpu.dimension_semantics<subcore_parallel>], iteration_bounds = array<i64: 2, 16>, scalar_prefetch = 0 : i64, scratch_operands = 7 : i64, tpu.core_type = #tpu.core_type<sc_vector_subcore>, window_params = [{transform_indices = #map}, {transform_indices = #map}, {transform_indices = #map1}, {transform_indices = #map1}, {transform_indices = #map}]} {
    %mul3A = arith.constant 2 : i32
    %mul3A_0 = arith.muli %arg1, %mul3A : i32
    %add3A = arith.addi %mul3A_0, %arg0 : i32
    %mul3A_1 = arith.constant 512 : i32
    %mul3A_2 = arith.muli %add3A, %mul3A_1 : i32
    "tpu.region"() ({
      %run_scoped3A = tpu.sem_alloc : memref<!tpu.dma_semaphore, #tpu.memory_space<semaphore_mem>>
      %dma_start3A_663 = tpu.memref_slice %arg2[%mul3A_2] : memref<16384xi32, #tpu.memory_space<hbm>> -> memref<512xi32, #tpu.memory_space<hbm>>
      %dma_start3A_664 = tpu.memref_slice %arg2[%mul3A_2] : memref<16384xi32, #tpu.memory_space<hbm>> -> memref<512xi32, #tpu.memory_space<hbm>>
      tpu.enqueue_dma source(%dma_start3A_664 : memref<512xi32, #tpu.memory_space<hbm>>) target(%arg7 : memref<512xi32, #tpu.memory_space<vmem>>) target_semaphore(%run_scoped3A : memref<!tpu.dma_semaphore, #tpu.memory_space<semaphore_mem>>)
      %dma_wait3A = tpu.memref_slice %arg2[%mul3A_2] : memref<16384xi32, #tpu.memory_space<hbm>> -> memref<512xi32, #tpu.memory_space<hbm>>
      %dma_wait3A_665 = tpu.memref_slice %arg2[%mul3A_2] : memref<16384xi32, #tpu.memory_space<hbm>> -> memref<512xi32, #tpu.memory_space<hbm>>
      tpu.wait_dma2 semaphore(%run_scoped3A : memref<!tpu.dma_semaphore, #tpu.memory_space<semaphore_mem>>) src(%dma_wait3A_665 : memref<512xi32, #tpu.memory_space<hbm>>) dst(%arg7 : memref<512xi32, #tpu.memory_space<vmem>>)
      tpu.yield
    }) : () -> ()
    "tpu.region"() ({
      %run_scoped3A = tpu.sem_alloc : memref<!tpu.dma_semaphore, #tpu.memory_space<semaphore_mem>>
      %dma_start3A_663 = tpu.memref_slice %arg3[%mul3A_2] : memref<16384xi32, #tpu.memory_space<hbm>> -> memref<512xi32, #tpu.memory_space<hbm>>
      %dma_start3A_664 = tpu.memref_slice %arg3[%mul3A_2] : memref<16384xi32, #tpu.memory_space<hbm>> -> memref<512xi32, #tpu.memory_space<hbm>>
      tpu.enqueue_dma source(%dma_start3A_664 : memref<512xi32, #tpu.memory_space<hbm>>) target(%arg8 : memref<512xi32, #tpu.memory_space<vmem>>) target_semaphore(%run_scoped3A : memref<!tpu.dma_semaphore, #tpu.memory_space<semaphore_mem>>)
      %dma_wait3A = tpu.memref_slice %arg3[%mul3A_2] : memref<16384xi32, #tpu.memory_space<hbm>> -> memref<512xi32, #tpu.memory_space<hbm>>
      %dma_wait3A_665 = tpu.memref_slice %arg3[%mul3A_2] : memref<16384xi32, #tpu.memory_space<hbm>> -> memref<512xi32, #tpu.memory_space<hbm>>
      tpu.wait_dma2 semaphore(%run_scoped3A : memref<!tpu.dma_semaphore, #tpu.memory_space<semaphore_mem>>) src(%dma_wait3A_665 : memref<512xi32, #tpu.memory_space<hbm>>) dst(%arg8 : memref<512xi32, #tpu.memory_space<vmem>>)
      tpu.yield
    }) : () -> ()
    %iota3A = tpu.iota {dimensions = array<i32: 0>} : vector<16xi32>
    %add3A_3 = arith.constant 16 : i32
    %add3A_4 = vector.broadcast %add3A_3 : i32 to vector<16xi32>
    %add3A_5 = arith.addi %iota3A, %add3A_4 : vector<16xi32>
    %xor3A = arith.constant 8 : i32
    %xor3A_6 = vector.broadcast %xor3A : i32 to vector<16xi32>
    %xor3A_7 = arith.xori %iota3A, %xor3A_6 : vector<16xi32>
    %xor3A_8 = arith.constant 4 : i32
    %xor3A_9 = vector.broadcast %xor3A_8 : i32 to vector<16xi32>
    %xor3A_10 = arith.xori %iota3A, %xor3A_9 : vector<16xi32>
    %xor3A_11 = arith.constant 2 : i32
    %xor3A_12 = vector.broadcast %xor3A_11 : i32 to vector<16xi32>
    %xor3A_13 = arith.xori %iota3A, %xor3A_12 : vector<16xi32>
    %xor3A_14 = arith.constant 1 : i32
    %xor3A_15 = vector.broadcast %xor3A_14 : i32 to vector<16xi32>
    %xor3A_16 = arith.xori %iota3A, %xor3A_15 : vector<16xi32>
    %get3A = arith.constant 0 : index
    %get3A_17 = tpu.vector_load %arg7[%get3A] {strides = array<i32>} : memref<512xi32, #tpu.memory_space<vmem>>, vector<16xi32>,
    %broadcast_in_dim3A = arith.constant 0 : i32
    %broadcast_in_dim3A_18 = vector.broadcast %broadcast_in_dim3A : i32 to vector<16xi32>
    %broadcast_in_dim3A_19 = vector.shape_cast %broadcast_in_dim3A_18 : vector<16xi32> to vector<16x1xi32>
    %gather3A = vector.shape_cast %broadcast_in_dim3A_19 : vector<16x1xi32> to vector<16xi32>
    %gather3A_20 = tpu.dynamic_gather %get3A_17[%gather3A] in [0] : vector<16xi32>, vector<16xi32> -> vector<16xi32>
    %slice3A = vector.extract_strided_slice %gather3A_20 {offsets = [0], sizes = [1], strides = [1]} : vector<16xi32> to vector<1xi32>
    %squeeze3A = vector.extract %slice3A[0] : i32 from vector<1xi32>
    %get3A_21 = arith.constant 0 : index
    %get3A_22 = tpu.vector_load %arg8[%get3A_21] {strides = array<i32>} : memref<512xi32, #tpu.memory_space<vmem>>, vector<16xi32>,
    %broadcast_in_dim3A_23 = arith.constant 0 : i32
    %broadcast_in_dim3A_24 = vector.broadcast %broadcast_in_dim3A_23 : i32 to vector<16xi32>
    %broadcast_in_dim3A_25 = vector.shape_cast %broadcast_in_dim3A_24 : vector<16xi32> to vector<16x1xi32>
    %gather3A_26 = vector.shape_cast %broadcast_in_dim3A_25 : vector<16x1xi32> to vector<16xi32>
    %gather3A_27 = tpu.dynamic_gather %get3A_22[%gather3A_26] in [0] : vector<16xi32>, vector<16xi32> -> vector<16xi32>
    %slice3A_28 = vector.extract_strided_slice %gather3A_27 {offsets = [0], sizes = [1], strides = [1]} : vector<16xi32> to vector<1xi32>
    %squeeze3A_29 = vector.extract %slice3A_28[0] : i32 from vector<1xi32>
    %shift_right_arithmetic3A = arith.constant 7 : i32
    %shift_right_arithmetic3A_30 = arith.shrsi %squeeze3A, %shift_right_arithmetic3A : i32
    %shift_left3A = arith.constant 7 : i32
    %shift_left3A_31 = arith.shli %shift_right_arithmetic3A_30, %shift_left3A : i32
    %multiple_of3A = tpu.assume_multiple %shift_left3A_31, 128 : i32
    %shift_right_arithmetic3A_32 = arith.constant 7 : i32
    %shift_right_arithmetic3A_33 = arith.shrsi %squeeze3A_29, %shift_right_arithmetic3A_32 : i32
    %shift_left3A_34 = arith.constant 7 : i32
    %shift_left3A_35 = arith.shli %shift_right_arithmetic3A_33, %shift_left3A_34 : i32
    %multiple_of3A_36 = tpu.assume_multiple %shift_left3A_35, 128 : i32
    %dma_start3A = arith.constant 0 : i32
    %dma_start3A_37 = arith.constant 0 : i32
    %dma_start3A_38 = arith.constant 0 : i32
    %dma_start3A_39 = tpu.memref_slice %arg9[%dma_start3A, %dma_start3A_37, %dma_start3A_38] : memref<12x32x128xf32, #tpu.memory_space<vmem>> -> memref<1x32x128xf32, #tpu.memory_space<vmem>>
    %dma_start3A_40 = tpu.memref_squeeze %dma_start3A_39 : memref<1x32x128xf32, #tpu.memory_space<vmem>> -> memref<32x128xf32, #tpu.memory_space<vmem>>
    %dma_start3A_41 = arith.constant 0 : i32
    %dma_start3A_42 = tpu.memref_slice %arg4[%dma_start3A_41, %multiple_of3A] : memref<32x1000000xf32, #tpu.memory_space<hbm>> -> memref<32x128xf32, #tpu.memory_space<hbm>>
    %dma_start3A_43 = arith.constant 0 : i32
    %dma_start3A_44 = arith.constant 0 : i32
    %dma_start3A_45 = tpu.memref_slice %arg9[%dma_start3A, %dma_start3A_43, %dma_start3A_44] : memref<12x32x128xf32, #tpu.memory_space<vmem>> -> memref<1x32x128xf32, #tpu.memory_space<vmem>>
    %dma_start3A_46 = tpu.memref_squeeze %dma_start3A_45 : memref<1x32x128xf32, #tpu.memory_space<vmem>> -> memref<32x128xf32, #tpu.memory_space<vmem>>
    %dma_start3A_47 = arith.constant 0 : i32
    %dma_start3A_48 = tpu.memref_slice %arg4[%dma_start3A_47, %multiple_of3A] : memref<32x1000000xf32, #tpu.memory_space<hbm>> -> memref<32x128xf32, #tpu.memory_space<hbm>>
    tpu.enqueue_dma source(%dma_start3A_48 : memref<32x128xf32, #tpu.memory_space<hbm>>) target(%dma_start3A_46 : memref<32x128xf32, #tpu.memory_space<vmem>>) target_semaphore(%arg12 : memref<!tpu.dma_semaphore, #tpu.memory_space<semaphore_mem>>)
    %dma_start3A_49 = arith.constant 0 : i32
    %dma_start3A_50 = arith.constant 0 : i32
    %dma_start3A_51 = arith.constant 0 : i32
    %dma_start3A_52 = tpu.memref_slice %arg10[%dma_start3A_49, %dma_start3A_50, %dma_start3A_51] : memref<12x32x128xf32, #tpu.memory_space<vmem>> -> memref<1x32x128xf32, #tpu.memory_space<vmem>>
    %dma_start3A_53 = tpu.memref_squeeze %dma_start3A_52 : memref<1x32x128xf32, #tpu.memory_space<vmem>> -> memref<32x128xf32, #tpu.memory_space<vmem>>
    %dma_start3A_54 = arith.constant 0 : i32
    %dma_start3A_55 = tpu.memref_slice %arg5[%dma_start3A_54, %multiple_of3A_36] : memref<32x1000000xf32, #tpu.memory_space<hbm>> -> memref<32x128xf32, #tpu.memory_space<hbm>>
    %dma_start3A_56 = arith.constant 0 : i32
    %dma_start3A_57 = arith.constant 0 : i32
    %dma_start3A_58 = tpu.memref_slice %arg10[%dma_start3A_49, %dma_start3A_56, %dma_start3A_57] : memref<12x32x128xf32, #tpu.memory_space<vmem>> -> memref<1x32x128xf32, #tpu.memory_space<vmem>>
    %dma_start3A_59 = tpu.memref_squeeze %dma_start3A_58 : memref<1x32x128xf32, #tpu.memory_space<vmem>> -> memref<32x128xf32, #tpu.memory_space<vmem>>
    %dma_start3A_60 = arith.constant 0 : i32
    %dma_start3A_61 = tpu.memref_slice %arg5[%dma_start3A_60, %multiple_of3A_36] : memref<32x1000000xf32, #tpu.memory_space<hbm>> -> memref<32x128xf32, #tpu.memory_space<hbm>>
    tpu.enqueue_dma source(%dma_start3A_61 : memref<32x128xf32, #tpu.memory_space<hbm>>) target(%dma_start3A_59 : memref<32x128xf32, #tpu.memory_space<vmem>>) target_semaphore(%arg13 : memref<!tpu.dma_semaphore, #tpu.memory_space<semaphore_mem>>)
    %get3A_62 = arith.constant 0 : index
    %get3A_63 = tpu.vector_load %arg7[%get3A_62] {strides = array<i32>} : memref<512xi32, #tpu.memory_space<vmem>>, vector<16xi32>,
    %broadcast_in_dim3A_64 = arith.constant 1 : i32
    %broadcast_in_dim3A_65 = vector.broadcast %broadcast_in_dim3A_64 : i32 to vector<16xi32>
    %broadcast_in_dim3A_66 = vector.shape_cast %broadcast_in_dim3A_65 : vector<16xi32> to vector<16x1xi32>
    %gather3A_67 = vector.shape_cast %broadcast_in_dim3A_66 : vector<16x1xi32> to vector<16xi32>
    %gather3A_68 = tpu.dynamic_gather %get3A_63[%gather3A_67] in [0] : vector<16xi32>, vector<16xi32> -> vector<16xi32>
    %slice3A_69 = vector.extract_strided_slice %gather3A_68 {offsets = [0], sizes = [1], strides = [1]} : vector<16xi32> to vector<1xi32>
    %squeeze3A_70 = vector.extract %slice3A_69[0] : i32 from vector<1xi32>
    %get3A_71 = arith.constant 0 : index
    %get3A_72 = tpu.vector_load %arg8[%get3A_71] {strides = array<i32>} : memref<512xi32, #tpu.memory_space<vmem>>, vector<16xi32>,
    %broadcast_in_dim3A_73 = arith.constant 1 : i32
    %broadcast_in_dim3A_74 = vector.broadcast %broadcast_in_dim3A_73 : i32 to vector<16xi32>
    %broadcast_in_dim3A_75 = vector.shape_cast %broadcast_in_dim3A_74 : vector<16xi32> to vector<16x1xi32>
    %gather3A_76 = vector.shape_cast %broadcast_in_dim3A_75 : vector<16x1xi32> to vector<16xi32>
    %gather3A_77 = tpu.dynamic_gather %get3A_72[%gather3A_76] in [0] : vector<16xi32>, vector<16xi32> -> vector<16xi32>
    %slice3A_78 = vector.extract_strided_slice %gather3A_77 {offsets = [0], sizes = [1], strides = [1]} : vector<16xi32> to vector<1xi32>
    %squeeze3A_79 = vector.extract %slice3A_78[0] : i32 from vector<1xi32>
    %shift_right_arithmetic3A_80 = arith.constant 7 : i32
    %shift_right_arithmetic3A_81 = arith.shrsi %squeeze3A_70, %shift_right_arithmetic3A_80 : i32
    %shift_left3A_82 = arith.constant 7 : i32
    %shift_left3A_83 = arith.shli %shift_right_arithmetic3A_81, %shift_left3A_82 : i32
    %multiple_of3A_84 = tpu.assume_multiple %shift_left3A_83, 128 : i32
    %shift_right_arithmetic3A_85 = arith.constant 7 : i32
    %shift_right_arithmetic3A_86 = arith.shrsi %squeeze3A_79, %shift_right_arithmetic3A_85 : i32
    %shift_left3A_87 = arith.constant 7 : i32
    %shift_left3A_88 = arith.shli %shift_right_arithmetic3A_86, %shift_left3A_87 : i32
    %multiple_of3A_89 = tpu.assume_multiple %shift_left3A_88, 128 : i32
    %dma_start3A_90 = arith.constant 1 : i32
    %dma_start3A_91 = arith.constant 0 : i32
    %dma_start3A_92 = arith.constant 0 : i32
    %dma_start3A_93 = tpu.memref_slice %arg9[%dma_start3A_90, %dma_start3A_91, %dma_start3A_92] : memref<12x32x128xf32, #tpu.memory_space<vmem>> -> memref<1x32x128xf32, #tpu.memory_space<vmem>>
    %dma_start3A_94 = tpu.memref_squeeze %dma_start3A_93 : memref<1x32x128xf32, #tpu.memory_space<vmem>> -> memref<32x128xf32, #tpu.memory_space<vmem>>
    %dma_start3A_95 = arith.constant 0 : i32
    %dma_start3A_96 = tpu.memref_slice %arg4[%dma_start3A_95, %multiple_of3A_84] : memref<32x1000000xf32, #tpu.memory_space<hbm>> -> memref<32x128xf32, #tpu.memory_space<hbm>>
    %dma_start3A_97 = arith.constant 0 : i32
    %dma_start3A_98 = arith.constant 0 : i32
    %dma_start3A_99 = tpu.memref_slice %arg9[%dma_start3A_90, %dma_start3A_97, %dma_start3A_98] : memref<12x32x128xf32, #tpu.memory_space<vmem>> -> memref<1x32x128xf32, #tpu.memory_space<vmem>>
    %dma_start3A_100 = tpu.memref_squeeze %dma_start3A_99 : memref<1x32x128xf32, #tpu.memory_space<vmem>> -> memref<32x128xf32, #tpu.memory_space<vmem>>
    %dma_start3A_101 = arith.constant 0 : i32
    %dma_start3A_102 = tpu.memref_slice %arg4[%dma_start3A_101, %multiple_of3A_84] : memref<32x1000000xf32, #tpu.memory_space<hbm>> -> memref<32x128xf32, #tpu.memory_space<hbm>>
    tpu.enqueue_dma source(%dma_start3A_102 : memref<32x128xf32, #tpu.memory_space<hbm>>) target(%dma_start3A_100 : memref<32x128xf32, #tpu.memory_space<vmem>>) target_semaphore(%arg12 : memref<!tpu.dma_semaphore, #tpu.memory_space<semaphore_mem>>)
    %dma_start3A_103 = arith.constant 1 : i32
    %dma_start3A_104 = arith.constant 0 : i32
    %dma_start3A_105 = arith.constant 0 : i32
    %dma_start3A_106 = tpu.memref_slice %arg10[%dma_start3A_103, %dma_start3A_104, %dma_start3A_105] : memref<12x32x128xf32, #tpu.memory_space<vmem>> -> memref<1x32x128xf32, #tpu.memory_space<vmem>>
    %dma_start3A_107 = tpu.memref_squeeze %dma_start3A_106 : memref<1x32x128xf32, #tpu.memory_space<vmem>> -> memref<32x128xf32, #tpu.memory_space<vmem>>
    %dma_start3A_108 = arith.constant 0 : i32
    %dma_start3A_109 = tpu.memref_slice %arg5[%dma_start3A_108, %multiple_of3A_89] : memref<32x1000000xf32, #tpu.memory_space<hbm>> -> memref<32x128xf32, #tpu.memory_space<hbm>>
    %dma_start3A_110 = arith.constant 0 : i32
    %dma_start3A_111 = arith.constant 0 : i32
    %dma_start3A_112 = tpu.memref_slice %arg10[%dma_start3A_103, %dma_start3A_110, %dma_start3A_111] : memref<12x32x128xf32, #tpu.memory_space<vmem>> -> memref<1x32x128xf32, #tpu.memory_space<vmem>>
    %dma_start3A_113 = tpu.memref_squeeze %dma_start3A_112 : memref<1x32x128xf32, #tpu.memory_space<vmem>> -> memref<32x128xf32, #tpu.memory_space<vmem>>
    %dma_start3A_114 = arith.constant 0 : i32
    %dma_start3A_115 = tpu.memref_slice %arg5[%dma_start3A_114, %multiple_of3A_89] : memref<32x1000000xf32, #tpu.memory_space<hbm>> -> memref<32x128xf32, #tpu.memory_space<hbm>>
    tpu.enqueue_dma source(%dma_start3A_115 : memref<32x128xf32, #tpu.memory_space<hbm>>) target(%dma_start3A_113 : memref<32x128xf32, #tpu.memory_space<vmem>>) target_semaphore(%arg13 : memref<!tpu.dma_semaphore, #tpu.memory_space<semaphore_mem>>)
    %get3A_116 = arith.constant 0 : index
    %get3A_117 = tpu.vector_load %arg7[%get3A_116] {strides = array<i32>} : memref<512xi32, #tpu.memory_space<vmem>>, vector<16xi32>,
    %broadcast_in_dim3A_118 = arith.constant 2 : i32
    %broadcast_in_dim3A_119 = vector.broadcast %broadcast_in_dim3A_118 : i32 to vector<16xi32>
    %broadcast_in_dim3A_120 = vector.shape_cast %broadcast_in_dim3A_119 : vector<16xi32> to vector<16x1xi32>
    %gather3A_121 = vector.shape_cast %broadcast_in_dim3A_120 : vector<16x1xi32> to vector<16xi32>
    %gather3A_122 = tpu.dynamic_gather %get3A_117[%gather3A_121] in [0] : vector<16xi32>, vector<16xi32> -> vector<16xi32>
    %slice3A_123 = vector.extract_strided_slice %gather3A_122 {offsets = [0], sizes = [1], strides = [1]} : vector<16xi32> to vector<1xi32>
    %squeeze3A_124 = vector.extract %slice3A_123[0] : i32 from vector<1xi32>
    %get3A_125 = arith.constant 0 : index
    %get3A_126 = tpu.vector_load %arg8[%get3A_125] {strides = array<i32>} : memref<512xi32, #tpu.memory_space<vmem>>, vector<16xi32>,
    %broadcast_in_dim3A_127 = arith.constant 2 : i32
    %broadcast_in_dim3A_128 = vector.broadcast %broadcast_in_dim3A_127 : i32 to vector<16xi32>
    %broadcast_in_dim3A_129 = vector.shape_cast %broadcast_in_dim3A_128 : vector<16xi32> to vector<16x1xi32>
    %gather3A_130 = vector.shape_cast %broadcast_in_dim3A_129 : vector<16x1xi32> to vector<16xi32>
    %gather3A_131 = tpu.dynamic_gather %get3A_126[%gather3A_130] in [0] : vector<16xi32>, vector<16xi32> -> vector<16xi32>
    %slice3A_132 = vector.extract_strided_slice %gather3A_131 {offsets = [0], sizes = [1], strides = [1]} : vector<16xi32> to vector<1xi32>
    %squeeze3A_133 = vector.extract %slice3A_132[0] : i32 from vector<1xi32>
    %shift_right_arithmetic3A_134 = arith.constant 7 : i32
    %shift_right_arithmetic3A_135 = arith.shrsi %squeeze3A_124, %shift_right_arithmetic3A_134 : i32
    %shift_left3A_136 = arith.constant 7 : i32
    %shift_left3A_137 = arith.shli %shift_right_arithmetic3A_135, %shift_left3A_136 : i32
    %multiple_of3A_138 = tpu.assume_multiple %shift_left3A_137, 128 : i32
    %shift_right_arithmetic3A_139 = arith.constant 7 : i32
    %shift_right_arithmetic3A_140 = arith.shrsi %squeeze3A_133, %shift_right_arithmetic3A_139 : i32
    %shift_left3A_141 = arith.constant 7 : i32
    %shift_left3A_142 = arith.shli %shift_right_arithmetic3A_140, %shift_left3A_141 : i32
    %multiple_of3A_143 = tpu.assume_multiple %shift_left3A_142, 128 : i32
    %dma_start3A_144 = arith.constant 2 : i32
    %dma_start3A_145 = arith.constant 0 : i32
    %dma_start3A_146 = arith.constant 0 : i32
    %dma_start3A_147 = tpu.memref_slice %arg9[%dma_start3A_144, %dma_start3A_145, %dma_start3A_146] : memref<12x32x128xf32, #tpu.memory_space<vmem>> -> memref<1x32x128xf32, #tpu.memory_space<vmem>>
    %dma_start3A_148 = tpu.memref_squeeze %dma_start3A_147 : memref<1x32x128xf32, #tpu.memory_space<vmem>> -> memref<32x128xf32, #tpu.memory_space<vmem>>
    %dma_start3A_149 = arith.constant 0 : i32
    %dma_start3A_150 = tpu.memref_slice %arg4[%dma_start3A_149, %multiple_of3A_138] : memref<32x1000000xf32, #tpu.memory_space<hbm>> -> memref<32x128xf32, #tpu.memory_space<hbm>>
    %dma_start3A_151 = arith.constant 0 : i32
    %dma_start3A_152 = arith.constant 0 : i32
    %dma_start3A_153 = tpu.memref_slice %arg9[%dma_start3A_144, %dma_start3A_151, %dma_start3A_152] : memref<12x32x128xf32, #tpu.memory_space<vmem>> -> memref<1x32x128xf32, #tpu.memory_space<vmem>>
    %dma_start3A_154 = tpu.memref_squeeze %dma_start3A_153 : memref<1x32x128xf32, #tpu.memory_space<vmem>> -> memref<32x128xf32, #tpu.memory_space<vmem>>
    %dma_start3A_155 = arith.constant 0 : i32
    %dma_start3A_156 = tpu.memref_slice %arg4[%dma_start3A_155, %multiple_of3A_138] : memref<32x1000000xf32, #tpu.memory_space<hbm>> -> memref<32x128xf32, #tpu.memory_space<hbm>>
    tpu.enqueue_dma source(%dma_start3A_156 : memref<32x128xf32, #tpu.memory_space<hbm>>) target(%dma_start3A_154 : memref<32x128xf32, #tpu.memory_space<vmem>>) target_semaphore(%arg12 : memref<!tpu.dma_semaphore, #tpu.memory_space<semaphore_mem>>)
    %dma_start3A_157 = arith.constant 2 : i32
    %dma_start3A_158 = arith.constant 0 : i32
    %dma_start3A_159 = arith.constant 0 : i32
    %dma_start3A_160 = tpu.memref_slice %arg10[%dma_start3A_157, %dma_start3A_158, %dma_start3A_159] : memref<12x32x128xf32, #tpu.memory_space<vmem>> -> memref<1x32x128xf32, #tpu.memory_space<vmem>>
    %dma_start3A_161 = tpu.memref_squeeze %dma_start3A_160 : memref<1x32x128xf32, #tpu.memory_space<vmem>> -> memref<32x128xf32, #tpu.memory_space<vmem>>
    %dma_start3A_162 = arith.constant 0 : i32
    %dma_start3A_163 = tpu.memref_slice %arg5[%dma_start3A_162, %multiple_of3A_143] : memref<32x1000000xf32, #tpu.memory_space<hbm>> -> memref<32x128xf32, #tpu.memory_space<hbm>>
    %dma_start3A_164 = arith.constant 0 : i32
    %dma_start3A_165 = arith.constant 0 : i32
    %dma_start3A_166 = tpu.memref_slice %arg10[%dma_start3A_157, %dma_start3A_164, %dma_start3A_165] : memref<12x32x128xf32, #tpu.memory_space<vmem>> -> memref<1x32x128xf32, #tpu.memory_space<vmem>>
    %dma_start3A_167 = tpu.memref_squeeze %dma_start3A_166 : memref<1x32x128xf32, #tpu.memory_space<vmem>> -> memref<32x128xf32, #tpu.memory_space<vmem>>
    %dma_start3A_168 = arith.constant 0 : i32
    %dma_start3A_169 = tpu.memref_slice %arg5[%dma_start3A_168, %multiple_of3A_143] : memref<32x1000000xf32, #tpu.memory_space<hbm>> -> memref<32x128xf32, #tpu.memory_space<hbm>>
    tpu.enqueue_dma source(%dma_start3A_169 : memref<32x128xf32, #tpu.memory_space<hbm>>) target(%dma_start3A_167 : memref<32x128xf32, #tpu.memory_space<vmem>>) target_semaphore(%arg13 : memref<!tpu.dma_semaphore, #tpu.memory_space<semaphore_mem>>)
    %get3A_170 = arith.constant 0 : index
    %get3A_171 = tpu.vector_load %arg7[%get3A_170] {strides = array<i32>} : memref<512xi32, #tpu.memory_space<vmem>>, vector<16xi32>,
    %broadcast_in_dim3A_172 = arith.constant 3 : i32
    %broadcast_in_dim3A_173 = vector.broadcast %broadcast_in_dim3A_172 : i32 to vector<16xi32>
    %broadcast_in_dim3A_174 = vector.shape_cast %broadcast_in_dim3A_173 : vector<16xi32> to vector<16x1xi32>
    %gather3A_175 = vector.shape_cast %broadcast_in_dim3A_174 : vector<16x1xi32> to vector<16xi32>
    %gather3A_176 = tpu.dynamic_gather %get3A_171[%gather3A_175] in [0] : vector<16xi32>, vector<16xi32> -> vector<16xi32>
    %slice3A_177 = vector.extract_strided_slice %gather3A_176 {offsets = [0], sizes = [1], strides = [1]} : vector<16xi32> to vector<1xi32>
    %squeeze3A_178 = vector.extract %slice3A_177[0] : i32 from vector<1xi32>
    %get3A_179 = arith.constant 0 : index
    %get3A_180 = tpu.vector_load %arg8[%get3A_179] {strides = array<i32>} : memref<512xi32, #tpu.memory_space<vmem>>, vector<16xi32>,
    %broadcast_in_dim3A_181 = arith.constant 3 : i32
    %broadcast_in_dim3A_182 = vector.broadcast %broadcast_in_dim3A_181 : i32 to vector<16xi32>
    %broadcast_in_dim3A_183 = vector.shape_cast %broadcast_in_dim3A_182 : vector<16xi32> to vector<16x1xi32>
    %gather3A_184 = vector.shape_cast %broadcast_in_dim3A_183 : vector<16x1xi32> to vector<16xi32>
    %gather3A_185 = tpu.dynamic_gather %get3A_180[%gather3A_184] in [0] : vector<16xi32>, vector<16xi32> -> vector<16xi32>
    %slice3A_186 = vector.extract_strided_slice %gather3A_185 {offsets = [0], sizes = [1], strides = [1]} : vector<16xi32> to vector<1xi32>
    %squeeze3A_187 = vector.extract %slice3A_186[0] : i32 from vector<1xi32>
    %shift_right_arithmetic3A_188 = arith.constant 7 : i32
    %shift_right_arithmetic3A_189 = arith.shrsi %squeeze3A_178, %shift_right_arithmetic3A_188 : i32
    %shift_left3A_190 = arith.constant 7 : i32
    %shift_left3A_191 = arith.shli %shift_right_arithmetic3A_189, %shift_left3A_190 : i32
    %multiple_of3A_192 = tpu.assume_multiple %shift_left3A_191, 128 : i32
    %shift_right_arithmetic3A_193 = arith.constant 7 : i32
    %shift_right_arithmetic3A_194 = arith.shrsi %squeeze3A_187, %shift_right_arithmetic3A_193 : i32
    %shift_left3A_195 = arith.constant 7 : i32
    %shift_left3A_196 = arith.shli %shift_right_arithmetic3A_194, %shift_left3A_195 : i32
    %multiple_of3A_197 = tpu.assume_multiple %shift_left3A_196, 128 : i32
    %dma_start3A_198 = arith.constant 3 : i32
    %dma_start3A_199 = arith.constant 0 : i32
    %dma_start3A_200 = arith.constant 0 : i32
    %dma_start3A_201 = tpu.memref_slice %arg9[%dma_start3A_198, %dma_start3A_199, %dma_start3A_200] : memref<12x32x128xf32, #tpu.memory_space<vmem>> -> memref<1x32x128xf32, #tpu.memory_space<vmem>>
    %dma_start3A_202 = tpu.memref_squeeze %dma_start3A_201 : memref<1x32x128xf32, #tpu.memory_space<vmem>> -> memref<32x128xf32, #tpu.memory_space<vmem>>
    %dma_start3A_203 = arith.constant 0 : i32
    %dma_start3A_204 = tpu.memref_slice %arg4[%dma_start3A_203, %multiple_of3A_192] : memref<32x1000000xf32, #tpu.memory_space<hbm>> -> memref<32x128xf32, #tpu.memory_space<hbm>>
    %dma_start3A_205 = arith.constant 0 : i32
    %dma_start3A_206 = arith.constant 0 : i32
    %dma_start3A_207 = tpu.memref_slice %arg9[%dma_start3A_198, %dma_start3A_205, %dma_start3A_206] : memref<12x32x128xf32, #tpu.memory_space<vmem>> -> memref<1x32x128xf32, #tpu.memory_space<vmem>>
    %dma_start3A_208 = tpu.memref_squeeze %dma_start3A_207 : memref<1x32x128xf32, #tpu.memory_space<vmem>> -> memref<32x128xf32, #tpu.memory_space<vmem>>
    %dma_start3A_209 = arith.constant 0 : i32
    %dma_start3A_210 = tpu.memref_slice %arg4[%dma_start3A_209, %multiple_of3A_192] : memref<32x1000000xf32, #tpu.memory_space<hbm>> -> memref<32x128xf32, #tpu.memory_space<hbm>>
    tpu.enqueue_dma source(%dma_start3A_210 : memref<32x128xf32, #tpu.memory_space<hbm>>) target(%dma_start3A_208 : memref<32x128xf32, #tpu.memory_space<vmem>>) target_semaphore(%arg12 : memref<!tpu.dma_semaphore, #tpu.memory_space<semaphore_mem>>)
    %dma_start3A_211 = arith.constant 3 : i32
    %dma_start3A_212 = arith.constant 0 : i32
    %dma_start3A_213 = arith.constant 0 : i32
    %dma_start3A_214 = tpu.memref_slice %arg10[%dma_start3A_211, %dma_start3A_212, %dma_start3A_213] : memref<12x32x128xf32, #tpu.memory_space<vmem>> -> memref<1x32x128xf32, #tpu.memory_space<vmem>>
    %dma_start3A_215 = tpu.memref_squeeze %dma_start3A_214 : memref<1x32x128xf32, #tpu.memory_space<vmem>> -> memref<32x128xf32, #tpu.memory_space<vmem>>
    %dma_start3A_216 = arith.constant 0 : i32
    %dma_start3A_217 = tpu.memref_slice %arg5[%dma_start3A_216, %multiple_of3A_197] : memref<32x1000000xf32, #tpu.memory_space<hbm>> -> memref<32x128xf32, #tpu.memory_space<hbm>>
    %dma_start3A_218 = arith.constant 0 : i32
    %dma_start3A_219 = arith.constant 0 : i32
    %dma_start3A_220 = tpu.memref_slice %arg10[%dma_start3A_211, %dma_start3A_218, %dma_start3A_219] : memref<12x32x128xf32, #tpu.memory_space<vmem>> -> memref<1x32x128xf32, #tpu.memory_space<vmem>>
    %dma_start3A_221 = tpu.memref_squeeze %dma_start3A_220 : memref<1x32x128xf32, #tpu.memory_space<vmem>> -> memref<32x128xf32, #tpu.memory_space<vmem>>
    %dma_start3A_222 = arith.constant 0 : i32
    %dma_start3A_223 = tpu.memref_slice %arg5[%dma_start3A_222, %multiple_of3A_197] : memref<32x1000000xf32, #tpu.memory_space<hbm>> -> memref<32x128xf32, #tpu.memory_space<hbm>>
    tpu.enqueue_dma source(%dma_start3A_223 : memref<32x128xf32, #tpu.memory_space<hbm>>) target(%dma_start3A_221 : memref<32x128xf32, #tpu.memory_space<vmem>>) target_semaphore(%arg13 : memref<!tpu.dma_semaphore, #tpu.memory_space<semaphore_mem>>)
    %get3A_224 = arith.constant 0 : index
    %get3A_225 = tpu.vector_load %arg7[%get3A_224] {strides = array<i32>} : memref<512xi32, #tpu.memory_space<vmem>>, vector<16xi32>,
    %broadcast_in_dim3A_226 = arith.constant 4 : i32
    %broadcast_in_dim3A_227 = vector.broadcast %broadcast_in_dim3A_226 : i32 to vector<16xi32>
    %broadcast_in_dim3A_228 = vector.shape_cast %broadcast_in_dim3A_227 : vector<16xi32> to vector<16x1xi32>
    %gather3A_229 = vector.shape_cast %broadcast_in_dim3A_228 : vector<16x1xi32> to vector<16xi32>
    %gather3A_230 = tpu.dynamic_gather %get3A_225[%gather3A_229] in [0] : vector<16xi32>, vector<16xi32> -> vector<16xi32>
    %slice3A_231 = vector.extract_strided_slice %gather3A_230 {offsets = [0], sizes = [1], strides = [1]} : vector<16xi32> to vector<1xi32>
    %squeeze3A_232 = vector.extract %slice3A_231[0] : i32 from vector<1xi32>
    %get3A_233 = arith.constant 0 : index
    %get3A_234 = tpu.vector_load %arg8[%get3A_233] {strides = array<i32>} : memref<512xi32, #tpu.memory_space<vmem>>, vector<16xi32>,
    %broadcast_in_dim3A_235 = arith.constant 4 : i32
    %broadcast_in_dim3A_236 = vector.broadcast %broadcast_in_dim3A_235 : i32 to vector<16xi32>
    %broadcast_in_dim3A_237 = vector.shape_cast %broadcast_in_dim3A_236 : vector<16xi32> to vector<16x1xi32>
    %gather3A_238 = vector.shape_cast %broadcast_in_dim3A_237 : vector<16x1xi32> to vector<16xi32>
    %gather3A_239 = tpu.dynamic_gather %get3A_234[%gather3A_238] in [0] : vector<16xi32>, vector<16xi32> -> vector<16xi32>
    %slice3A_240 = vector.extract_strided_slice %gather3A_239 {offsets = [0], sizes = [1], strides = [1]} : vector<16xi32> to vector<1xi32>
    %squeeze3A_241 = vector.extract %slice3A_240[0] : i32 from vector<1xi32>
    %shift_right_arithmetic3A_242 = arith.constant 7 : i32
    %shift_right_arithmetic3A_243 = arith.shrsi %squeeze3A_232, %shift_right_arithmetic3A_242 : i32
    %shift_left3A_244 = arith.constant 7 : i32
    %shift_left3A_245 = arith.shli %shift_right_arithmetic3A_243, %shift_left3A_244 : i32
    %multiple_of3A_246 = tpu.assume_multiple %shift_left3A_245, 128 : i32
    %shift_right_arithmetic3A_247 = arith.constant 7 : i32
    %shift_right_arithmetic3A_248 = arith.shrsi %squeeze3A_241, %shift_right_arithmetic3A_247 : i32
    %shift_left3A_249 = arith.constant 7 : i32
    %shift_left3A_250 = arith.shli %shift_right_arithmetic3A_248, %shift_left3A_249 : i32
    %multiple_of3A_251 = tpu.assume_multiple %shift_left3A_250, 128 : i32
    %dma_start3A_252 = arith.constant 4 : i32
    %dma_start3A_253 = arith.constant 0 : i32
    %dma_start3A_254 = arith.constant 0 : i32
    %dma_start3A_255 = tpu.memref_slice %arg9[%dma_start3A_252, %dma_start3A_253, %dma_start3A_254] : memref<12x32x128xf32, #tpu.memory_space<vmem>> -> memref<1x32x128xf32, #tpu.memory_space<vmem>>
    %dma_start3A_256 = tpu.memref_squeeze %dma_start3A_255 : memref<1x32x128xf32, #tpu.memory_space<vmem>> -> memref<32x128xf32, #tpu.memory_space<vmem>>
    %dma_start3A_257 = arith.constant 0 : i32
    %dma_start3A_258 = tpu.memref_slice %arg4[%dma_start3A_257, %multiple_of3A_246] : memref<32x1000000xf32, #tpu.memory_space<hbm>> -> memref<32x128xf32, #tpu.memory_space<hbm>>
    %dma_start3A_259 = arith.constant 0 : i32
    %dma_start3A_260 = arith.constant 0 : i32
    %dma_start3A_261 = tpu.memref_slice %arg9[%dma_start3A_252, %dma_start3A_259, %dma_start3A_260] : memref<12x32x128xf32, #tpu.memory_space<vmem>> -> memref<1x32x128xf32, #tpu.memory_space<vmem>>
    %dma_start3A_262 = tpu.memref_squeeze %dma_start3A_261 : memref<1x32x128xf32, #tpu.memory_space<vmem>> -> memref<32x128xf32, #tpu.memory_space<vmem>>
    %dma_start3A_263 = arith.constant 0 : i32
    %dma_start3A_264 = tpu.memref_slice %arg4[%dma_start3A_263, %multiple_of3A_246] : memref<32x1000000xf32, #tpu.memory_space<hbm>> -> memref<32x128xf32, #tpu.memory_space<hbm>>
    tpu.enqueue_dma source(%dma_start3A_264 : memref<32x128xf32, #tpu.memory_space<hbm>>) target(%dma_start3A_262 : memref<32x128xf32, #tpu.memory_space<vmem>>) target_semaphore(%arg12 : memref<!tpu.dma_semaphore, #tpu.memory_space<semaphore_mem>>)
    %dma_start3A_265 = arith.constant 4 : i32
    %dma_start3A_266 = arith.constant 0 : i32
    %dma_start3A_267 = arith.constant 0 : i32
    %dma_start3A_268 = tpu.memref_slice %arg10[%dma_start3A_265, %dma_start3A_266, %dma_start3A_267] : memref<12x32x128xf32, #tpu.memory_space<vmem>> -> memref<1x32x128xf32, #tpu.memory_space<vmem>>
    %dma_start3A_269 = tpu.memref_squeeze %dma_start3A_268 : memref<1x32x128xf32, #tpu.memory_space<vmem>> -> memref<32x128xf32, #tpu.memory_space<vmem>>
    %dma_start3A_270 = arith.constant 0 : i32
    %dma_start3A_271 = tpu.memref_slice %arg5[%dma_start3A_270, %multiple_of3A_251] : memref<32x1000000xf32, #tpu.memory_space<hbm>> -> memref<32x128xf32, #tpu.memory_space<hbm>>
    %dma_start3A_272 = arith.constant 0 : i32
    %dma_start3A_273 = arith.constant 0 : i32
    %dma_start3A_274 = tpu.memref_slice %arg10[%dma_start3A_265, %dma_start3A_272, %dma_start3A_273] : memref<12x32x128xf32, #tpu.memory_space<vmem>> -> memref<1x32x128xf32, #tpu.memory_space<vmem>>
    %dma_start3A_275 = tpu.memref_squeeze %dma_start3A_274 : memref<1x32x128xf32, #tpu.memory_space<vmem>> -> memref<32x128xf32, #tpu.memory_space<vmem>>
    %dma_start3A_276 = arith.constant 0 : i32
    %dma_start3A_277 = tpu.memref_slice %arg5[%dma_start3A_276, %multiple_of3A_251] : memref<32x1000000xf32, #tpu.memory_space<hbm>> -> memref<32x128xf32, #tpu.memory_space<hbm>>
    tpu.enqueue_dma source(%dma_start3A_277 : memref<32x128xf32, #tpu.memory_space<hbm>>) target(%dma_start3A_275 : memref<32x128xf32, #tpu.memory_space<vmem>>) target_semaphore(%arg13 : memref<!tpu.dma_semaphore, #tpu.memory_space<semaphore_mem>>)
    %get3A_278 = arith.constant 0 : index
    %get3A_279 = tpu.vector_load %arg7[%get3A_278] {strides = array<i32>} : memref<512xi32, #tpu.memory_space<vmem>>, vector<16xi32>,
    %broadcast_in_dim3A_280 = arith.constant 5 : i32
    %broadcast_in_dim3A_281 = vector.broadcast %broadcast_in_dim3A_280 : i32 to vector<16xi32>
    %broadcast_in_dim3A_282 = vector.shape_cast %broadcast_in_dim3A_281 : vector<16xi32> to vector<16x1xi32>
    %gather3A_283 = vector.shape_cast %broadcast_in_dim3A_282 : vector<16x1xi32> to vector<16xi32>
    %gather3A_284 = tpu.dynamic_gather %get3A_279[%gather3A_283] in [0] : vector<16xi32>, vector<16xi32> -> vector<16xi32>
    %slice3A_285 = vector.extract_strided_slice %gather3A_284 {offsets = [0], sizes = [1], strides = [1]} : vector<16xi32> to vector<1xi32>
    %squeeze3A_286 = vector.extract %slice3A_285[0] : i32 from vector<1xi32>
    %get3A_287 = arith.constant 0 : index
    %get3A_288 = tpu.vector_load %arg8[%get3A_287] {strides = array<i32>} : memref<512xi32, #tpu.memory_space<vmem>>, vector<16xi32>,
    %broadcast_in_dim3A_289 = arith.constant 5 : i32
    %broadcast_in_dim3A_290 = vector.broadcast %broadcast_in_dim3A_289 : i32 to vector<16xi32>
    %broadcast_in_dim3A_291 = vector.shape_cast %broadcast_in_dim3A_290 : vector<16xi32> to vector<16x1xi32>
    %gather3A_292 = vector.shape_cast %broadcast_in_dim3A_291 : vector<16x1xi32> to vector<16xi32>
    %gather3A_293 = tpu.dynamic_gather %get3A_288[%gather3A_292] in [0] : vector<16xi32>, vector<16xi32> -> vector<16xi32>
    %slice3A_294 = vector.extract_strided_slice %gather3A_293 {offsets = [0], sizes = [1], strides = [1]} : vector<16xi32> to vector<1xi32>
    %squeeze3A_295 = vector.extract %slice3A_294[0] : i32 from vector<1xi32>
    %shift_right_arithmetic3A_296 = arith.constant 7 : i32
    %shift_right_arithmetic3A_297 = arith.shrsi %squeeze3A_286, %shift_right_arithmetic3A_296 : i32
    %shift_left3A_298 = arith.constant 7 : i32
    %shift_left3A_299 = arith.shli %shift_right_arithmetic3A_297, %shift_left3A_298 : i32
    %multiple_of3A_300 = tpu.assume_multiple %shift_left3A_299, 128 : i32
    %shift_right_arithmetic3A_301 = arith.constant 7 : i32
    %shift_right_arithmetic3A_302 = arith.shrsi %squeeze3A_295, %shift_right_arithmetic3A_301 : i32
    %shift_left3A_303 = arith.constant 7 : i32
    %shift_left3A_304 = arith.shli %shift_right_arithmetic3A_302, %shift_left3A_303 : i32
    %multiple_of3A_305 = tpu.assume_multiple %shift_left3A_304, 128 : i32
    %dma_start3A_306 = arith.constant 5 : i32
    %dma_start3A_307 = arith.constant 0 : i32
    %dma_start3A_308 = arith.constant 0 : i32
    %dma_start3A_309 = tpu.memref_slice %arg9[%dma_start3A_306, %dma_start3A_307, %dma_start3A_308] : memref<12x32x128xf32, #tpu.memory_space<vmem>> -> memref<1x32x128xf32, #tpu.memory_space<vmem>>
    %dma_start3A_310 = tpu.memref_squeeze %dma_start3A_309 : memref<1x32x128xf32, #tpu.memory_space<vmem>> -> memref<32x128xf32, #tpu.memory_space<vmem>>
    %dma_start3A_311 = arith.constant 0 : i32
    %dma_start3A_312 = tpu.memref_slice %arg4[%dma_start3A_311, %multiple_of3A_300] : memref<32x1000000xf32, #tpu.memory_space<hbm>> -> memref<32x128xf32, #tpu.memory_space<hbm>>
    %dma_start3A_313 = arith.constant 0 : i32
    %dma_start3A_314 = arith.constant 0 : i32
    %dma_start3A_315 = tpu.memref_slice %arg9[%dma_start3A_306, %dma_start3A_313, %dma_start3A_314] : memref<12x32x128xf32, #tpu.memory_space<vmem>> -> memref<1x32x128xf32, #tpu.memory_space<vmem>>
    %dma_start3A_316 = tpu.memref_squeeze %dma_start3A_315 : memref<1x32x128xf32, #tpu.memory_space<vmem>> -> memref<32x128xf32, #tpu.memory_space<vmem>>
    %dma_start3A_317 = arith.constant 0 : i32
    %dma_start3A_318 = tpu.memref_slice %arg4[%dma_start3A_317, %multiple_of3A_300] : memref<32x1000000xf32, #tpu.memory_space<hbm>> -> memref<32x128xf32, #tpu.memory_space<hbm>>
    tpu.enqueue_dma source(%dma_start3A_318 : memref<32x128xf32, #tpu.memory_space<hbm>>) target(%dma_start3A_316 : memref<32x128xf32, #tpu.memory_space<vmem>>) target_semaphore(%arg12 : memref<!tpu.dma_semaphore, #tpu.memory_space<semaphore_mem>>)
    %dma_start3A_319 = arith.constant 5 : i32
    %dma_start3A_320 = arith.constant 0 : i32
    %dma_start3A_321 = arith.constant 0 : i32
    %dma_start3A_322 = tpu.memref_slice %arg10[%dma_start3A_319, %dma_start3A_320, %dma_start3A_321] : memref<12x32x128xf32, #tpu.memory_space<vmem>> -> memref<1x32x128xf32, #tpu.memory_space<vmem>>
    %dma_start3A_323 = tpu.memref_squeeze %dma_start3A_322 : memref<1x32x128xf32, #tpu.memory_space<vmem>> -> memref<32x128xf32, #tpu.memory_space<vmem>>
    %dma_start3A_324 = arith.constant 0 : i32
    %dma_start3A_325 = tpu.memref_slice %arg5[%dma_start3A_324, %multiple_of3A_305] : memref<32x1000000xf32, #tpu.memory_space<hbm>> -> memref<32x128xf32, #tpu.memory_space<hbm>>
    %dma_start3A_326 = arith.constant 0 : i32
    %dma_start3A_327 = arith.constant 0 : i32
    %dma_start3A_328 = tpu.memref_slice %arg10[%dma_start3A_319, %dma_start3A_326, %dma_start3A_327] : memref<12x32x128xf32, #tpu.memory_space<vmem>> -> memref<1x32x128xf32, #tpu.memory_space<vmem>>
    %dma_start3A_329 = tpu.memref_squeeze %dma_start3A_328 : memref<1x32x128xf32, #tpu.memory_space<vmem>> -> memref<32x128xf32, #tpu.memory_space<vmem>>
    %dma_start3A_330 = arith.constant 0 : i32
    %dma_start3A_331 = tpu.memref_slice %arg5[%dma_start3A_330, %multiple_of3A_305] : memref<32x1000000xf32, #tpu.memory_space<hbm>> -> memref<32x128xf32, #tpu.memory_space<hbm>>
    tpu.enqueue_dma source(%dma_start3A_331 : memref<32x128xf32, #tpu.memory_space<hbm>>) target(%dma_start3A_329 : memref<32x128xf32, #tpu.memory_space<vmem>>) target_semaphore(%arg13 : memref<!tpu.dma_semaphore, #tpu.memory_space<semaphore_mem>>)
    %get3A_332 = arith.constant 0 : index
    %get3A_333 = tpu.vector_load %arg7[%get3A_332] {strides = array<i32>} : memref<512xi32, #tpu.memory_space<vmem>>, vector<16xi32>,
    %broadcast_in_dim3A_334 = arith.constant 6 : i32
    %broadcast_in_dim3A_335 = vector.broadcast %broadcast_in_dim3A_334 : i32 to vector<16xi32>
    %broadcast_in_dim3A_336 = vector.shape_cast %broadcast_in_dim3A_335 : vector<16xi32> to vector<16x1xi32>
    %gather3A_337 = vector.shape_cast %broadcast_in_dim3A_336 : vector<16x1xi32> to vector<16xi32>
    %gather3A_338 = tpu.dynamic_gather %get3A_333[%gather3A_337] in [0] : vector<16xi32>, vector<16xi32> -> vector<16xi32>
    %slice3A_339 = vector.extract_strided_slice %gather3A_338 {offsets = [0], sizes = [1], strides = [1]} : vector<16xi32> to vector<1xi32>
    %squeeze3A_340 = vector.extract %slice3A_339[0] : i32 from vector<1xi32>
    %get3A_341 = arith.constant 0 : index
    %get3A_342 = tpu.vector_load %arg8[%get3A_341] {strides = array<i32>} : memref<512xi32, #tpu.memory_space<vmem>>, vector<16xi32>,
    %broadcast_in_dim3A_343 = arith.constant 6 : i32
    %broadcast_in_dim3A_344 = vector.broadcast %broadcast_in_dim3A_343 : i32 to vector<16xi32>
    %broadcast_in_dim3A_345 = vector.shape_cast %broadcast_in_dim3A_344 : vector<16xi32> to vector<16x1xi32>
    %gather3A_346 = vector.shape_cast %broadcast_in_dim3A_345 : vector<16x1xi32> to vector<16xi32>
    %gather3A_347 = tpu.dynamic_gather %get3A_342[%gather3A_346] in [0] : vector<16xi32>, vector<16xi32> -> vector<16xi32>
    %slice3A_348 = vector.extract_strided_slice %gather3A_347 {offsets = [0], sizes = [1], strides = [1]} : vector<16xi32> to vector<1xi32>
    %squeeze3A_349 = vector.extract %slice3A_348[0] : i32 from vector<1xi32>
    %shift_right_arithmetic3A_350 = arith.constant 7 : i32
    %shift_right_arithmetic3A_351 = arith.shrsi %squeeze3A_340, %shift_right_arithmetic3A_350 : i32
    %shift_left3A_352 = arith.constant 7 : i32
    %shift_left3A_353 = arith.shli %shift_right_arithmetic3A_351, %shift_left3A_352 : i32
    %multiple_of3A_354 = tpu.assume_multiple %shift_left3A_353, 128 : i32
    %shift_right_arithmetic3A_355 = arith.constant 7 : i32
    %shift_right_arithmetic3A_356 = arith.shrsi %squeeze3A_349, %shift_right_arithmetic3A_355 : i32
    %shift_left3A_357 = arith.constant 7 : i32
    %shift_left3A_358 = arith.shli %shift_right_arithmetic3A_356, %shift_left3A_357 : i32
    %multiple_of3A_359 = tpu.assume_multiple %shift_left3A_358, 128 : i32
    %dma_start3A_360 = arith.constant 6 : i32
    %dma_start3A_361 = arith.constant 0 : i32
    %dma_start3A_362 = arith.constant 0 : i32
    %dma_start3A_363 = tpu.memref_slice %arg9[%dma_start3A_360, %dma_start3A_361, %dma_start3A_362] : memref<12x32x128xf32, #tpu.memory_space<vmem>> -> memref<1x32x128xf32, #tpu.memory_space<vmem>>
    %dma_start3A_364 = tpu.memref_squeeze %dma_start3A_363 : memref<1x32x128xf32, #tpu.memory_space<vmem>> -> memref<32x128xf32, #tpu.memory_space<vmem>>
    %dma_start3A_365 = arith.constant 0 : i32
    %dma_start3A_366 = tpu.memref_slice %arg4[%dma_start3A_365, %multiple_of3A_354] : memref<32x1000000xf32, #tpu.memory_space<hbm>> -> memref<32x128xf32, #tpu.memory_space<hbm>>
    %dma_start3A_367 = arith.constant 0 : i32
    %dma_start3A_368 = arith.constant 0 : i32
    %dma_start3A_369 = tpu.memref_slice %arg9[%dma_start3A_360, %dma_start3A_367, %dma_start3A_368] : memref<12x32x128xf32, #tpu.memory_space<vmem>> -> memref<1x32x128xf32, #tpu.memory_space<vmem>>
    %dma_start3A_370 = tpu.memref_squeeze %dma_start3A_369 : memref<1x32x128xf32, #tpu.memory_space<vmem>> -> memref<32x128xf32, #tpu.memory_space<vmem>>
    %dma_start3A_371 = arith.constant 0 : i32
    %dma_start3A_372 = tpu.memref_slice %arg4[%dma_start3A_371, %multiple_of3A_354] : memref<32x1000000xf32, #tpu.memory_space<hbm>> -> memref<32x128xf32, #tpu.memory_space<hbm>>
    tpu.enqueue_dma source(%dma_start3A_372 : memref<32x128xf32, #tpu.memory_space<hbm>>) target(%dma_start3A_370 : memref<32x128xf32, #tpu.memory_space<vmem>>) target_semaphore(%arg12 : memref<!tpu.dma_semaphore, #tpu.memory_space<semaphore_mem>>)
    %dma_start3A_373 = arith.constant 6 : i32
    %dma_start3A_374 = arith.constant 0 : i32
    %dma_start3A_375 = arith.constant 0 : i32
    %dma_start3A_376 = tpu.memref_slice %arg10[%dma_start3A_373, %dma_start3A_374, %dma_start3A_375] : memref<12x32x128xf32, #tpu.memory_space<vmem>> -> memref<1x32x128xf32, #tpu.memory_space<vmem>>
    %dma_start3A_377 = tpu.memref_squeeze %dma_start3A_376 : memref<1x32x128xf32, #tpu.memory_space<vmem>> -> memref<32x128xf32, #tpu.memory_space<vmem>>
    %dma_start3A_378 = arith.constant 0 : i32
    %dma_start3A_379 = tpu.memref_slice %arg5[%dma_start3A_378, %multiple_of3A_359] : memref<32x1000000xf32, #tpu.memory_space<hbm>> -> memref<32x128xf32, #tpu.memory_space<hbm>>
    %dma_start3A_380 = arith.constant 0 : i32
    %dma_start3A_381 = arith.constant 0 : i32
    %dma_start3A_382 = tpu.memref_slice %arg10[%dma_start3A_373, %dma_start3A_380, %dma_start3A_381] : memref<12x32x128xf32, #tpu.memory_space<vmem>> -> memref<1x32x128xf32, #tpu.memory_space<vmem>>
    %dma_start3A_383 = tpu.memref_squeeze %dma_start3A_382 : memref<1x32x128xf32, #tpu.memory_space<vmem>> -> memref<32x128xf32, #tpu.memory_space<vmem>>
    %dma_start3A_384 = arith.constant 0 : i32
    %dma_start3A_385 = tpu.memref_slice %arg5[%dma_start3A_384, %multiple_of3A_359] : memref<32x1000000xf32, #tpu.memory_space<hbm>> -> memref<32x128xf32, #tpu.memory_space<hbm>>
    tpu.enqueue_dma source(%dma_start3A_385 : memref<32x128xf32, #tpu.memory_space<hbm>>) target(%dma_start3A_383 : memref<32x128xf32, #tpu.memory_space<vmem>>) target_semaphore(%arg13 : memref<!tpu.dma_semaphore, #tpu.memory_space<semaphore_mem>>)
    %get3A_386 = arith.constant 0 : index
    %get3A_387 = tpu.vector_load %arg7[%get3A_386] {strides = array<i32>} : memref<512xi32, #tpu.memory_space<vmem>>, vector<16xi32>,
    %broadcast_in_dim3A_388 = arith.constant 7 : i32
    %broadcast_in_dim3A_389 = vector.broadcast %broadcast_in_dim3A_388 : i32 to vector<16xi32>
    %broadcast_in_dim3A_390 = vector.shape_cast %broadcast_in_dim3A_389 : vector<16xi32> to vector<16x1xi32>
    %gather3A_391 = vector.shape_cast %broadcast_in_dim3A_390 : vector<16x1xi32> to vector<16xi32>
    %gather3A_392 = tpu.dynamic_gather %get3A_387[%gather3A_391] in [0] : vector<16xi32>, vector<16xi32> -> vector<16xi32>
    %slice3A_393 = vector.extract_strided_slice %gather3A_392 {offsets = [0], sizes = [1], strides = [1]} : vector<16xi32> to vector<1xi32>
    %squeeze3A_394 = vector.extract %slice3A_393[0] : i32 from vector<1xi32>
    %get3A_395 = arith.constant 0 : index
    %get3A_396 = tpu.vector_load %arg8[%get3A_395] {strides = array<i32>} : memref<512xi32, #tpu.memory_space<vmem>>, vector<16xi32>,
    %broadcast_in_dim3A_397 = arith.constant 7 : i32
    %broadcast_in_dim3A_398 = vector.broadcast %broadcast_in_dim3A_397 : i32 to vector<16xi32>
    %broadcast_in_dim3A_399 = vector.shape_cast %broadcast_in_dim3A_398 : vector<16xi32> to vector<16x1xi32>
    %gather3A_400 = vector.shape_cast %broadcast_in_dim3A_399 : vector<16x1xi32> to vector<16xi32>
    %gather3A_401 = tpu.dynamic_gather %get3A_396[%gather3A_400] in [0] : vector<16xi32>, vector<16xi32> -> vector<16xi32>
    %slice3A_402 = vector.extract_strided_slice %gather3A_401 {offsets = [0], sizes = [1], strides = [1]} : vector<16xi32> to vector<1xi32>
    %squeeze3A_403 = vector.extract %slice3A_402[0] : i32 from vector<1xi32>
    %shift_right_arithmetic3A_404 = arith.constant 7 : i32
    %shift_right_arithmetic3A_405 = arith.shrsi %squeeze3A_394, %shift_right_arithmetic3A_404 : i32
    %shift_left3A_406 = arith.constant 7 : i32
    %shift_left3A_407 = arith.shli %shift_right_arithmetic3A_405, %shift_left3A_406 : i32
    %multiple_of3A_408 = tpu.assume_multiple %shift_left3A_407, 128 : i32
    %shift_right_arithmetic3A_409 = arith.constant 7 : i32
    %shift_right_arithmetic3A_410 = arith.shrsi %squeeze3A_403, %shift_right_arithmetic3A_409 : i32
    %shift_left3A_411 = arith.constant 7 : i32
    %shift_left3A_412 = arith.shli %shift_right_arithmetic3A_410, %shift_left3A_411 : i32
    %multiple_of3A_413 = tpu.assume_multiple %shift_left3A_412, 128 : i32
    %dma_start3A_414 = arith.constant 7 : i32
    %dma_start3A_415 = arith.constant 0 : i32
    %dma_start3A_416 = arith.constant 0 : i32
    %dma_start3A_417 = tpu.memref_slice %arg9[%dma_start3A_414, %dma_start3A_415, %dma_start3A_416] : memref<12x32x128xf32, #tpu.memory_space<vmem>> -> memref<1x32x128xf32, #tpu.memory_space<vmem>>
    %dma_start3A_418 = tpu.memref_squeeze %dma_start3A_417 : memref<1x32x128xf32, #tpu.memory_space<vmem>> -> memref<32x128xf32, #tpu.memory_space<vmem>>
    %dma_start3A_419 = arith.constant 0 : i32
    %dma_start3A_420 = tpu.memref_slice %arg4[%dma_start3A_419, %multiple_of3A_408] : memref<32x1000000xf32, #tpu.memory_space<hbm>> -> memref<32x128xf32, #tpu.memory_space<hbm>>
    %dma_start3A_421 = arith.constant 0 : i32
    %dma_start3A_422 = arith.constant 0 : i32
    %dma_start3A_423 = tpu.memref_slice %arg9[%dma_start3A_414, %dma_start3A_421, %dma_start3A_422] : memref<12x32x128xf32, #tpu.memory_space<vmem>> -> memref<1x32x128xf32, #tpu.memory_space<vmem>>
    %dma_start3A_424 = tpu.memref_squeeze %dma_start3A_423 : memref<1x32x128xf32, #tpu.memory_space<vmem>> -> memref<32x128xf32, #tpu.memory_space<vmem>>
    %dma_start3A_425 = arith.constant 0 : i32
    %dma_start3A_426 = tpu.memref_slice %arg4[%dma_start3A_425, %multiple_of3A_408] : memref<32x1000000xf32, #tpu.memory_space<hbm>> -> memref<32x128xf32, #tpu.memory_space<hbm>>
    tpu.enqueue_dma source(%dma_start3A_426 : memref<32x128xf32, #tpu.memory_space<hbm>>) target(%dma_start3A_424 : memref<32x128xf32, #tpu.memory_space<vmem>>) target_semaphore(%arg12 : memref<!tpu.dma_semaphore, #tpu.memory_space<semaphore_mem>>)
    %dma_start3A_427 = arith.constant 7 : i32
    %dma_start3A_428 = arith.constant 0 : i32
    %dma_start3A_429 = arith.constant 0 : i32
    %dma_start3A_430 = tpu.memref_slice %arg10[%dma_start3A_427, %dma_start3A_428, %dma_start3A_429] : memref<12x32x128xf32, #tpu.memory_space<vmem>> -> memref<1x32x128xf32, #tpu.memory_space<vmem>>
    %dma_start3A_431 = tpu.memref_squeeze %dma_start3A_430 : memref<1x32x128xf32, #tpu.memory_space<vmem>> -> memref<32x128xf32, #tpu.memory_space<vmem>>
    %dma_start3A_432 = arith.constant 0 : i32
    %dma_start3A_433 = tpu.memref_slice %arg5[%dma_start3A_432, %multiple_of3A_413] : memref<32x1000000xf32, #tpu.memory_space<hbm>> -> memref<32x128xf32, #tpu.memory_space<hbm>>
    %dma_start3A_434 = arith.constant 0 : i32
    %dma_start3A_435 = arith.constant 0 : i32
    %dma_start3A_436 = tpu.memref_slice %arg10[%dma_start3A_427, %dma_start3A_434, %dma_start3A_435] : memref<12x32x128xf32, #tpu.memory_space<vmem>> -> memref<1x32x128xf32, #tpu.memory_space<vmem>>
    %dma_start3A_437 = tpu.memref_squeeze %dma_start3A_436 : memref<1x32x128xf32, #tpu.memory_space<vmem>> -> memref<32x128xf32, #tpu.memory_space<vmem>>
    %dma_start3A_438 = arith.constant 0 : i32
    %dma_start3A_439 = tpu.memref_slice %arg5[%dma_start3A_438, %multiple_of3A_413] : memref<32x1000000xf32, #tpu.memory_space<hbm>> -> memref<32x128xf32, #tpu.memory_space<hbm>>
    tpu.enqueue_dma source(%dma_start3A_439 : memref<32x128xf32, #tpu.memory_space<hbm>>) target(%dma_start3A_437 : memref<32x128xf32, #tpu.memory_space<vmem>>) target_semaphore(%arg13 : memref<!tpu.dma_semaphore, #tpu.memory_space<semaphore_mem>>)
    %get3A_440 = arith.constant 0 : index
    %get3A_441 = tpu.vector_load %arg7[%get3A_440] {strides = array<i32>} : memref<512xi32, #tpu.memory_space<vmem>>, vector<16xi32>,
    %broadcast_in_dim3A_442 = arith.constant 8 : i32
    %broadcast_in_dim3A_443 = vector.broadcast %broadcast_in_dim3A_442 : i32 to vector<16xi32>
    %broadcast_in_dim3A_444 = vector.shape_cast %broadcast_in_dim3A_443 : vector<16xi32> to vector<16x1xi32>
    %gather3A_445 = vector.shape_cast %broadcast_in_dim3A_444 : vector<16x1xi32> to vector<16xi32>
    %gather3A_446 = tpu.dynamic_gather %get3A_441[%gather3A_445] in [0] : vector<16xi32>, vector<16xi32> -> vector<16xi32>
    %slice3A_447 = vector.extract_strided_slice %gather3A_446 {offsets = [0], sizes = [1], strides = [1]} : vector<16xi32> to vector<1xi32>
    %squeeze3A_448 = vector.extract %slice3A_447[0] : i32 from vector<1xi32>
    %get3A_449 = arith.constant 0 : index
    %get3A_450 = tpu.vector_load %arg8[%get3A_449] {strides = array<i32>} : memref<512xi32, #tpu.memory_space<vmem>>, vector<16xi32>,
    %broadcast_in_dim3A_451 = arith.constant 8 : i32
    %broadcast_in_dim3A_452 = vector.broadcast %broadcast_in_dim3A_451 : i32 to vector<16xi32>
    %broadcast_in_dim3A_453 = vector.shape_cast %broadcast_in_dim3A_452 : vector<16xi32> to vector<16x1xi32>
    %gather3A_454 = vector.shape_cast %broadcast_in_dim3A_453 : vector<16x1xi32> to vector<16xi32>
    %gather3A_455 = tpu.dynamic_gather %get3A_450[%gather3A_454] in [0] : vector<16xi32>, vector<16xi32> -> vector<16xi32>
    %slice3A_456 = vector.extract_strided_slice %gather3A_455 {offsets = [0], sizes = [1], strides = [1]} : vector<16xi32> to vector<1xi32>
    %squeeze3A_457 = vector.extract %slice3A_456[0] : i32 from vector<1xi32>
    %shift_right_arithmetic3A_458 = arith.constant 7 : i32
    %shift_right_arithmetic3A_459 = arith.shrsi %squeeze3A_448, %shift_right_arithmetic3A_458 : i32
    %shift_left3A_460 = arith.constant 7 : i32
    %shift_left3A_461 = arith.shli %shift_right_arithmetic3A_459, %shift_left3A_460 : i32
    %multiple_of3A_462 = tpu.assume_multiple %shift_left3A_461, 128 : i32
    %shift_right_arithmetic3A_463 = arith.constant 7 : i32
    %shift_right_arithmetic3A_464 = arith.shrsi %squeeze3A_457, %shift_right_arithmetic3A_463 : i32
    %shift_left3A_465 = arith.constant 7 : i32
    %shift_left3A_466 = arith.shli %shift_right_arithmetic3A_464, %shift_left3A_465 : i32
    %multiple_of3A_467 = tpu.assume_multiple %shift_left3A_466, 128 : i32
    %dma_start3A_468 = arith.constant 8 : i32
    %dma_start3A_469 = arith.constant 0 : i32
    %dma_start3A_470 = arith.constant 0 : i32
    %dma_start3A_471 = tpu.memref_slice %arg9[%dma_start3A_468, %dma_start3A_469, %dma_start3A_470] : memref<12x32x128xf32, #tpu.memory_space<vmem>> -> memref<1x32x128xf32, #tpu.memory_space<vmem>>
    %dma_start3A_472 = tpu.memref_squeeze %dma_start3A_471 : memref<1x32x128xf32, #tpu.memory_space<vmem>> -> memref<32x128xf32, #tpu.memory_space<vmem>>
    %dma_start3A_473 = arith.constant 0 : i32
    %dma_start3A_474 = tpu.memref_slice %arg4[%dma_start3A_473, %multiple_of3A_462] : memref<32x1000000xf32, #tpu.memory_space<hbm>> -> memref<32x128xf32, #tpu.memory_space<hbm>>
    %dma_start3A_475 = arith.constant 0 : i32
    %dma_start3A_476 = arith.constant 0 : i32
    %dma_start3A_477 = tpu.memref_slice %arg9[%dma_start3A_468, %dma_start3A_475, %dma_start3A_476] : memref<12x32x128xf32, #tpu.memory_space<vmem>> -> memref<1x32x128xf32, #tpu.memory_space<vmem>>
    %dma_start3A_478 = tpu.memref_squeeze %dma_start3A_477 : memref<1x32x128xf32, #tpu.memory_space<vmem>> -> memref<32x128xf32, #tpu.memory_space<vmem>>
    %dma_start3A_479 = arith.constant 0 : i32
    %dma_start3A_480 = tpu.memref_slice %arg4[%dma_start3A_479, %multiple_of3A_462] : memref<32x1000000xf32, #tpu.memory_space<hbm>> -> memref<32x128xf32, #tpu.memory_space<hbm>>
    tpu.enqueue_dma source(%dma_start3A_480 : memref<32x128xf32, #tpu.memory_space<hbm>>) target(%dma_start3A_478 : memref<32x128xf32, #tpu.memory_space<vmem>>) target_semaphore(%arg12 : memref<!tpu.dma_semaphore, #tpu.memory_space<semaphore_mem>>)
    %dma_start3A_481 = arith.constant 8 : i32
    %dma_start3A_482 = arith.constant 0 : i32
    %dma_start3A_483 = arith.constant 0 : i32
    %dma_start3A_484 = tpu.memref_slice %arg10[%dma_start3A_481, %dma_start3A_482, %dma_start3A_483] : memref<12x32x128xf32, #tpu.memory_space<vmem>> -> memref<1x32x128xf32, #tpu.memory_space<vmem>>
    %dma_start3A_485 = tpu.memref_squeeze %dma_start3A_484 : memref<1x32x128xf32, #tpu.memory_space<vmem>> -> memref<32x128xf32, #tpu.memory_space<vmem>>
    %dma_start3A_486 = arith.constant 0 : i32
    %dma_start3A_487 = tpu.memref_slice %arg5[%dma_start3A_486, %multiple_of3A_467] : memref<32x1000000xf32, #tpu.memory_space<hbm>> -> memref<32x128xf32, #tpu.memory_space<hbm>>
    %dma_start3A_488 = arith.constant 0 : i32
    %dma_start3A_489 = arith.constant 0 : i32
    %dma_start3A_490 = tpu.memref_slice %arg10[%dma_start3A_481, %dma_start3A_488, %dma_start3A_489] : memref<12x32x128xf32, #tpu.memory_space<vmem>> -> memref<1x32x128xf32, #tpu.memory_space<vmem>>
    %dma_start3A_491 = tpu.memref_squeeze %dma_start3A_490 : memref<1x32x128xf32, #tpu.memory_space<vmem>> -> memref<32x128xf32, #tpu.memory_space<vmem>>
    %dma_start3A_492 = arith.constant 0 : i32
    %dma_start3A_493 = tpu.memref_slice %arg5[%dma_start3A_492, %multiple_of3A_467] : memref<32x1000000xf32, #tpu.memory_space<hbm>> -> memref<32x128xf32, #tpu.memory_space<hbm>>
    tpu.enqueue_dma source(%dma_start3A_493 : memref<32x128xf32, #tpu.memory_space<hbm>>) target(%dma_start3A_491 : memref<32x128xf32, #tpu.memory_space<vmem>>) target_semaphore(%arg13 : memref<!tpu.dma_semaphore, #tpu.memory_space<semaphore_mem>>)
    %get3A_494 = arith.constant 0 : index
    %get3A_495 = tpu.vector_load %arg7[%get3A_494] {strides = array<i32>} : memref<512xi32, #tpu.memory_space<vmem>>, vector<16xi32>,
    %broadcast_in_dim3A_496 = arith.constant 9 : i32
    %broadcast_in_dim3A_497 = vector.broadcast %broadcast_in_dim3A_496 : i32 to vector<16xi32>
    %broadcast_in_dim3A_498 = vector.shape_cast %broadcast_in_dim3A_497 : vector<16xi32> to vector<16x1xi32>
    %gather3A_499 = vector.shape_cast %broadcast_in_dim3A_498 : vector<16x1xi32> to vector<16xi32>
    %gather3A_500 = tpu.dynamic_gather %get3A_495[%gather3A_499] in [0] : vector<16xi32>, vector<16xi32> -> vector<16xi32>
    %slice3A_501 = vector.extract_strided_slice %gather3A_500 {offsets = [0], sizes = [1], strides = [1]} : vector<16xi32> to vector<1xi32>
    %squeeze3A_502 = vector.extract %slice3A_501[0] : i32 from vector<1xi32>
    %get3A_503 = arith.constant 0 : index
    %get3A_504 = tpu.vector_load %arg8[%get3A_503] {strides = array<i32>} : memref<512xi32, #tpu.memory_space<vmem>>, vector<16xi32>,
    %broadcast_in_dim3A_505 = arith.constant 9 : i32
    %broadcast_in_dim3A_506 = vector.broadcast %broadcast_in_dim3A_505 : i32 to vector<16xi32>
    %broadcast_in_dim3A_507 = vector.shape_cast %broadcast_in_dim3A_506 : vector<16xi32> to vector<16x1xi32>
    %gather3A_508 = vector.shape_cast %broadcast_in_dim3A_507 : vector<16x1xi32> to vector<16xi32>
    %gather3A_509 = tpu.dynamic_gather %get3A_504[%gather3A_508] in [0] : vector<16xi32>, vector<16xi32> -> vector<16xi32>
    %slice3A_510 = vector.extract_strided_slice %gather3A_509 {offsets = [0], sizes = [1], strides = [1]} : vector<16xi32> to vector<1xi32>
    %squeeze3A_511 = vector.extract %slice3A_510[0] : i32 from vector<1xi32>
    %shift_right_arithmetic3A_512 = arith.constant 7 : i32
    %shift_right_arithmetic3A_513 = arith.shrsi %squeeze3A_502, %shift_right_arithmetic3A_512 : i32
    %shift_left3A_514 = arith.constant 7 : i32
    %shift_left3A_515 = arith.shli %shift_right_arithmetic3A_513, %shift_left3A_514 : i32
    %multiple_of3A_516 = tpu.assume_multiple %shift_left3A_515, 128 : i32
    %shift_right_arithmetic3A_517 = arith.constant 7 : i32
    %shift_right_arithmetic3A_518 = arith.shrsi %squeeze3A_511, %shift_right_arithmetic3A_517 : i32
    %shift_left3A_519 = arith.constant 7 : i32
    %shift_left3A_520 = arith.shli %shift_right_arithmetic3A_518, %shift_left3A_519 : i32
    %multiple_of3A_521 = tpu.assume_multiple %shift_left3A_520, 128 : i32
    %dma_start3A_522 = arith.constant 9 : i32
    %dma_start3A_523 = arith.constant 0 : i32
    %dma_start3A_524 = arith.constant 0 : i32
    %dma_start3A_525 = tpu.memref_slice %arg9[%dma_start3A_522, %dma_start3A_523, %dma_start3A_524] : memref<12x32x128xf32, #tpu.memory_space<vmem>> -> memref<1x32x128xf32, #tpu.memory_space<vmem>>
    %dma_start3A_526 = tpu.memref_squeeze %dma_start3A_525 : memref<1x32x128xf32, #tpu.memory_space<vmem>> -> memref<32x128xf32, #tpu.memory_space<vmem>>
    %dma_start3A_527 = arith.constant 0 : i32
    %dma_start3A_528 = tpu.memref_slice %arg4[%dma_start3A_527, %multiple_of3A_516] : memref<32x1000000xf32, #tpu.memory_space<hbm>> -> memref<32x128xf32, #tpu.memory_space<hbm>>
    %dma_start3A_529 = arith.constant 0 : i32
    %dma_start3A_530 = arith.constant 0 : i32
    %dma_start3A_531 = tpu.memref_slice %arg9[%dma_start3A_522, %dma_start3A_529, %dma_start3A_530] : memref<12x32x128xf32, #tpu.memory_space<vmem>> -> memref<1x32x128xf32, #tpu.memory_space<vmem>>
    %dma_start3A_532 = tpu.memref_squeeze %dma_start3A_531 : memref<1x32x128xf32, #tpu.memory_space<vmem>> -> memref<32x128xf32, #tpu.memory_space<vmem>>
    %dma_start3A_533 = arith.constant 0 : i32
    %dma_start3A_534 = tpu.memref_slice %arg4[%dma_start3A_533, %multiple_of3A_516] : memref<32x1000000xf32, #tpu.memory_space<hbm>> -> memref<32x128xf32, #tpu.memory_space<hbm>>
    tpu.enqueue_dma source(%dma_start3A_534 : memref<32x128xf32, #tpu.memory_space<hbm>>) target(%dma_start3A_532 : memref<32x128xf32, #tpu.memory_space<vmem>>) target_semaphore(%arg12 : memref<!tpu.dma_semaphore, #tpu.memory_space<semaphore_mem>>)
    %dma_start3A_535 = arith.constant 9 : i32
    %dma_start3A_536 = arith.constant 0 : i32
    %dma_start3A_537 = arith.constant 0 : i32
    %dma_start3A_538 = tpu.memref_slice %arg10[%dma_start3A_535, %dma_start3A_536, %dma_start3A_537] : memref<12x32x128xf32, #tpu.memory_space<vmem>> -> memref<1x32x128xf32, #tpu.memory_space<vmem>>
    %dma_start3A_539 = tpu.memref_squeeze %dma_start3A_538 : memref<1x32x128xf32, #tpu.memory_space<vmem>> -> memref<32x128xf32, #tpu.memory_space<vmem>>
    %dma_start3A_540 = arith.constant 0 : i32
    %dma_start3A_541 = tpu.memref_slice %arg5[%dma_start3A_540, %multiple_of3A_521] : memref<32x1000000xf32, #tpu.memory_space<hbm>> -> memref<32x128xf32, #tpu.memory_space<hbm>>
    %dma_start3A_542 = arith.constant 0 : i32
    %dma_start3A_543 = arith.constant 0 : i32
    %dma_start3A_544 = tpu.memref_slice %arg10[%dma_start3A_535, %dma_start3A_542, %dma_start3A_543] : memref<12x32x128xf32, #tpu.memory_space<vmem>> -> memref<1x32x128xf32, #tpu.memory_space<vmem>>
    %dma_start3A_545 = tpu.memref_squeeze %dma_start3A_544 : memref<1x32x128xf32, #tpu.memory_space<vmem>> -> memref<32x128xf32, #tpu.memory_space<vmem>>
    %dma_start3A_546 = arith.constant 0 : i32
    %dma_start3A_547 = tpu.memref_slice %arg5[%dma_start3A_546, %multiple_of3A_521] : memref<32x1000000xf32, #tpu.memory_space<hbm>> -> memref<32x128xf32, #tpu.memory_space<hbm>>
    tpu.enqueue_dma source(%dma_start3A_547 : memref<32x128xf32, #tpu.memory_space<hbm>>) target(%dma_start3A_545 : memref<32x128xf32, #tpu.memory_space<vmem>>) target_semaphore(%arg13 : memref<!tpu.dma_semaphore, #tpu.memory_space<semaphore_mem>>)
    %get3A_548 = arith.constant 0 : index
    %get3A_549 = tpu.vector_load %arg7[%get3A_548] {strides = array<i32>} : memref<512xi32, #tpu.memory_space<vmem>>, vector<16xi32>,
    %broadcast_in_dim3A_550 = arith.constant 10 : i32
    %broadcast_in_dim3A_551 = vector.broadcast %broadcast_in_dim3A_550 : i32 to vector<16xi32>
    %broadcast_in_dim3A_552 = vector.shape_cast %broadcast_in_dim3A_551 : vector<16xi32> to vector<16x1xi32>
    %gather3A_553 = vector.shape_cast %broadcast_in_dim3A_552 : vector<16x1xi32> to vector<16xi32>
    %gather3A_554 = tpu.dynamic_gather %get3A_549[%gather3A_553] in [0] : vector<16xi32>, vector<16xi32> -> vector<16xi32>
    %slice3A_555 = vector.extract_strided_slice %gather3A_554 {offsets = [0], sizes = [1], strides = [1]} : vector<16xi32> to vector<1xi32>
    %squeeze3A_556 = vector.extract %slice3A_555[0] : i32 from vector<1xi32>
    %get3A_557 = arith.constant 0 : index
    %get3A_558 = tpu.vector_load %arg8[%get3A_557] {strides = array<i32>} : memref<512xi32, #tpu.memory_space<vmem>>, vector<16xi32>,
    %broadcast_in_dim3A_559 = arith.constant 10 : i32
    %broadcast_in_dim3A_560 = vector.broadcast %broadcast_in_dim3A_559 : i32 to vector<16xi32>
    %broadcast_in_dim3A_561 = vector.shape_cast %broadcast_in_dim3A_560 : vector<16xi32> to vector<16x1xi32>
    %gather3A_562 = vector.shape_cast %broadcast_in_dim3A_561 : vector<16x1xi32> to vector<16xi32>
    %gather3A_563 = tpu.dynamic_gather %get3A_558[%gather3A_562] in [0] : vector<16xi32>, vector<16xi32> -> vector<16xi32>
    %slice3A_564 = vector.extract_strided_slice %gather3A_563 {offsets = [0], sizes = [1], strides = [1]} : vector<16xi32> to vector<1xi32>
    %squeeze3A_565 = vector.extract %slice3A_564[0] : i32 from vector<1xi32>
    %shift_right_arithmetic3A_566 = arith.constant 7 : i32
    %shift_right_arithmetic3A_567 = arith.shrsi %squeeze3A_556, %shift_right_arithmetic3A_566 : i32
    %shift_left3A_568 = arith.constant 7 : i32
    %shift_left3A_569 = arith.shli %shift_right_arithmetic3A_567, %shift_left3A_568 : i32
    %multiple_of3A_570 = tpu.assume_multiple %shift_left3A_569, 128 : i32
    %shift_right_arithmetic3A_571 = arith.constant 7 : i32
    %shift_right_arithmetic3A_572 = arith.shrsi %squeeze3A_565, %shift_right_arithmetic3A_571 : i32
    %shift_left3A_573 = arith.constant 7 : i32
    %shift_left3A_574 = arith.shli %shift_right_arithmetic3A_572, %shift_left3A_573 : i32
    %multiple_of3A_575 = tpu.assume_multiple %shift_left3A_574, 128 : i32
    %dma_start3A_576 = arith.constant 10 : i32
    %dma_start3A_577 = arith.constant 0 : i32
    %dma_start3A_578 = arith.constant 0 : i32
    %dma_start3A_579 = tpu.memref_slice %arg9[%dma_start3A_576, %dma_start3A_577, %dma_start3A_578] : memref<12x32x128xf32, #tpu.memory_space<vmem>> -> memref<1x32x128xf32, #tpu.memory_space<vmem>>
    %dma_start3A_580 = tpu.memref_squeeze %dma_start3A_579 : memref<1x32x128xf32, #tpu.memory_space<vmem>> -> memref<32x128xf32, #tpu.memory_space<vmem>>
    %dma_start3A_581 = arith.constant 0 : i32
    %dma_start3A_582 = tpu.memref_slice %arg4[%dma_start3A_581, %multiple_of3A_570] : memref<32x1000000xf32, #tpu.memory_space<hbm>> -> memref<32x128xf32, #tpu.memory_space<hbm>>
    %dma_start3A_583 = arith.constant 0 : i32
    %dma_start3A_584 = arith.constant 0 : i32
    %dma_start3A_585 = tpu.memref_slice %arg9[%dma_start3A_576, %dma_start3A_583, %dma_start3A_584] : memref<12x32x128xf32, #tpu.memory_space<vmem>> -> memref<1x32x128xf32, #tpu.memory_space<vmem>>
    %dma_start3A_586 = tpu.memref_squeeze %dma_start3A_585 : memref<1x32x128xf32, #tpu.memory_space<vmem>> -> memref<32x128xf32, #tpu.memory_space<vmem>>
    %dma_start3A_587 = arith.constant 0 : i32
    %dma_start3A_588 = tpu.memref_slice %arg4[%dma_start3A_587, %multiple_of3A_570] : memref<32x1000000xf32, #tpu.memory_space<hbm>> -> memref<32x128xf32, #tpu.memory_space<hbm>>
    tpu.enqueue_dma source(%dma_start3A_588 : memref<32x128xf32, #tpu.memory_space<hbm>>) target(%dma_start3A_586 : memref<32x128xf32, #tpu.memory_space<vmem>>) target_semaphore(%arg12 : memref<!tpu.dma_semaphore, #tpu.memory_space<semaphore_mem>>)
    %dma_start3A_589 = arith.constant 10 : i32
    %dma_start3A_590 = arith.constant 0 : i32
    %dma_start3A_591 = arith.constant 0 : i32
    %dma_start3A_592 = tpu.memref_slice %arg10[%dma_start3A_589, %dma_start3A_590, %dma_start3A_591] : memref<12x32x128xf32, #tpu.memory_space<vmem>> -> memref<1x32x128xf32, #tpu.memory_space<vmem>>
    %dma_start3A_593 = tpu.memref_squeeze %dma_start3A_592 : memref<1x32x128xf32, #tpu.memory_space<vmem>> -> memref<32x128xf32, #tpu.memory_space<vmem>>
    %dma_start3A_594 = arith.constant 0 : i32
    %dma_start3A_595 = tpu.memref_slice %arg5[%dma_start3A_594, %multiple_of3A_575] : memref<32x1000000xf32, #tpu.memory_space<hbm>> -> memref<32x128xf32, #tpu.memory_space<hbm>>
    %dma_start3A_596 = arith.constant 0 : i32
    %dma_start3A_597 = arith.constant 0 : i32
    %dma_start3A_598 = tpu.memref_slice %arg10[%dma_start3A_589, %dma_start3A_596, %dma_start3A_597] : memref<12x32x128xf32, #tpu.memory_space<vmem>> -> memref<1x32x128xf32, #tpu.memory_space<vmem>>
    %dma_start3A_599 = tpu.memref_squeeze %dma_start3A_598 : memref<1x32x128xf32, #tpu.memory_space<vmem>> -> memref<32x128xf32, #tpu.memory_space<vmem>>
    %dma_start3A_600 = arith.constant 0 : i32
    %dma_start3A_601 = tpu.memref_slice %arg5[%dma_start3A_600, %multiple_of3A_575] : memref<32x1000000xf32, #tpu.memory_space<hbm>> -> memref<32x128xf32, #tpu.memory_space<hbm>>
    tpu.enqueue_dma source(%dma_start3A_601 : memref<32x128xf32, #tpu.memory_space<hbm>>) target(%dma_start3A_599 : memref<32x128xf32, #tpu.memory_space<vmem>>) target_semaphore(%arg13 : memref<!tpu.dma_semaphore, #tpu.memory_space<semaphore_mem>>)
    %get3A_602 = arith.constant 0 : index
    %get3A_603 = tpu.vector_load %arg7[%get3A_602] {strides = array<i32>} : memref<512xi32, #tpu.memory_space<vmem>>, vector<16xi32>,
    %broadcast_in_dim3A_604 = arith.constant 11 : i32
    %broadcast_in_dim3A_605 = vector.broadcast %broadcast_in_dim3A_604 : i32 to vector<16xi32>
    %broadcast_in_dim3A_606 = vector.shape_cast %broadcast_in_dim3A_605 : vector<16xi32> to vector<16x1xi32>
    %gather3A_607 = vector.shape_cast %broadcast_in_dim3A_606 : vector<16x1xi32> to vector<16xi32>
    %gather3A_608 = tpu.dynamic_gather %get3A_603[%gather3A_607] in [0] : vector<16xi32>, vector<16xi32> -> vector<16xi32>
    %slice3A_609 = vector.extract_strided_slice %gather3A_608 {offsets = [0], sizes = [1], strides = [1]} : vector<16xi32> to vector<1xi32>
    %squeeze3A_610 = vector.extract %slice3A_609[0] : i32 from vector<1xi32>
    %get3A_611 = arith.constant 0 : index
    %get3A_612 = tpu.vector_load %arg8[%get3A_611] {strides = array<i32>} : memref<512xi32, #tpu.memory_space<vmem>>, vector<16xi32>,
    %broadcast_in_dim3A_613 = arith.constant 11 : i32
    %broadcast_in_dim3A_614 = vector.broadcast %broadcast_in_dim3A_613 : i32 to vector<16xi32>
    %broadcast_in_dim3A_615 = vector.shape_cast %broadcast_in_dim3A_614 : vector<16xi32> to vector<16x1xi32>
    %gather3A_616 = vector.shape_cast %broadcast_in_dim3A_615 : vector<16x1xi32> to vector<16xi32>
    %gather3A_617 = tpu.dynamic_gather %get3A_612[%gather3A_616] in [0] : vector<16xi32>, vector<16xi32> -> vector<16xi32>
    %slice3A_618 = vector.extract_strided_slice %gather3A_617 {offsets = [0], sizes = [1], strides = [1]} : vector<16xi32> to vector<1xi32>
    %squeeze3A_619 = vector.extract %slice3A_618[0] : i32 from vector<1xi32>
    %shift_right_arithmetic3A_620 = arith.constant 7 : i32
    %shift_right_arithmetic3A_621 = arith.shrsi %squeeze3A_610, %shift_right_arithmetic3A_620 : i32
    %shift_left3A_622 = arith.constant 7 : i32
    %shift_left3A_623 = arith.shli %shift_right_arithmetic3A_621, %shift_left3A_622 : i32
    %multiple_of3A_624 = tpu.assume_multiple %shift_left3A_623, 128 : i32
    %shift_right_arithmetic3A_625 = arith.constant 7 : i32
    %shift_right_arithmetic3A_626 = arith.shrsi %squeeze3A_619, %shift_right_arithmetic3A_625 : i32
    %shift_left3A_627 = arith.constant 7 : i32
    %shift_left3A_628 = arith.shli %shift_right_arithmetic3A_626, %shift_left3A_627 : i32
    %multiple_of3A_629 = tpu.assume_multiple %shift_left3A_628, 128 : i32
    %dma_start3A_630 = arith.constant 11 : i32
    %dma_start3A_631 = arith.constant 0 : i32
    %dma_start3A_632 = arith.constant 0 : i32
    %dma_start3A_633 = tpu.memref_slice %arg9[%dma_start3A_630, %dma_start3A_631, %dma_start3A_632] : memref<12x32x128xf32, #tpu.memory_space<vmem>> -> memref<1x32x128xf32, #tpu.memory_space<vmem>>
    %dma_start3A_634 = tpu.memref_squeeze %dma_start3A_633 : memref<1x32x128xf32, #tpu.memory_space<vmem>> -> memref<32x128xf32, #tpu.memory_space<vmem>>
    %dma_start3A_635 = arith.constant 0 : i32
    %dma_start3A_636 = tpu.memref_slice %arg4[%dma_start3A_635, %multiple_of3A_624] : memref<32x1000000xf32, #tpu.memory_space<hbm>> -> memref<32x128xf32, #tpu.memory_space<hbm>>
    %dma_start3A_637 = arith.constant 0 : i32
    %dma_start3A_638 = arith.constant 0 : i32
    %dma_start3A_639 = tpu.memref_slice %arg9[%dma_start3A_630, %dma_start3A_637, %dma_start3A_638] : memref<12x32x128xf32, #tpu.memory_space<vmem>> -> memref<1x32x128xf32, #tpu.memory_space<vmem>>
    %dma_start3A_640 = tpu.memref_squeeze %dma_start3A_639 : memref<1x32x128xf32, #tpu.memory_space<vmem>> -> memref<32x128xf32, #tpu.memory_space<vmem>>
    %dma_start3A_641 = arith.constant 0 : i32
    %dma_start3A_642 = tpu.memref_slice %arg4[%dma_start3A_641, %multiple_of3A_624] : memref<32x1000000xf32, #tpu.memory_space<hbm>> -> memref<32x128xf32, #tpu.memory_space<hbm>>
    tpu.enqueue_dma source(%dma_start3A_642 : memref<32x128xf32, #tpu.memory_space<hbm>>) target(%dma_start3A_640 : memref<32x128xf32, #tpu.memory_space<vmem>>) target_semaphore(%arg12 : memref<!tpu.dma_semaphore, #tpu.memory_space<semaphore_mem>>)
    %dma_start3A_643 = arith.constant 11 : i32
    %dma_start3A_644 = arith.constant 0 : i32
    %dma_start3A_645 = arith.constant 0 : i32
    %dma_start3A_646 = tpu.memref_slice %arg10[%dma_start3A_643, %dma_start3A_644, %dma_start3A_645] : memref<12x32x128xf32, #tpu.memory_space<vmem>> -> memref<1x32x128xf32, #tpu.memory_space<vmem>>
    %dma_start3A_647 = tpu.memref_squeeze %dma_start3A_646 : memref<1x32x128xf32, #tpu.memory_space<vmem>> -> memref<32x128xf32, #tpu.memory_space<vmem>>
    %dma_start3A_648 = arith.constant 0 : i32
    %dma_start3A_649 = tpu.memref_slice %arg5[%dma_start3A_648, %multiple_of3A_629] : memref<32x1000000xf32, #tpu.memory_space<hbm>> -> memref<32x128xf32, #tpu.memory_space<hbm>>
    %dma_start3A_650 = arith.constant 0 : i32
    %dma_start3A_651 = arith.constant 0 : i32
    %dma_start3A_652 = tpu.memref_slice %arg10[%dma_start3A_643, %dma_start3A_650, %dma_start3A_651] : memref<12x32x128xf32, #tpu.memory_space<vmem>> -> memref<1x32x128xf32, #tpu.memory_space<vmem>>
    %dma_start3A_653 = tpu.memref_squeeze %dma_start3A_652 : memref<1x32x128xf32, #tpu.memory_space<vmem>> -> memref<32x128xf32, #tpu.memory_space<vmem>>
    %dma_start3A_654 = arith.constant 0 : i32
    %dma_start3A_655 = tpu.memref_slice %arg5[%dma_start3A_654, %multiple_of3A_629] : memref<32x1000000xf32, #tpu.memory_space<hbm>> -> memref<32x128xf32, #tpu.memory_space<hbm>>
    tpu.enqueue_dma source(%dma_start3A_655 : memref<32x128xf32, #tpu.memory_space<hbm>>) target(%dma_start3A_653 : memref<32x128xf32, #tpu.memory_space<vmem>>) target_semaphore(%arg13 : memref<!tpu.dma_semaphore, #tpu.memory_space<semaphore_mem>>)
    %broadcast_in_dim3A_656 = arith.constant 0.000000e+00 : f32
    %broadcast_in_dim3A_657 = vector.broadcast %broadcast_in_dim3A_656 : f32 to vector<16xf32>
    %scan3A = arith.constant 0 : i32
    %scan3A_658 = arith.constant 512 : i32
    %scan3A_659 = arith.addi %scan3A, %scan3A_658 : i32
    %scan3A_660 = arith.constant 1 : i32
    %scan3A_661 = scf.for %scan3A_663 = %scan3A to %scan3A_659 step %scan3A_660 iter_args(%scan3A_664 = %broadcast_in_dim3A_657) -> (vector<16xf32>)  : i32 {
      %rem3A = arith.constant 12 : i32
      %rem3A_665 = arith.remsi %scan3A_663, %rem3A : i32
      %dma_wait3A = arith.constant 0 : i32
      %dma_wait3A_666 = arith.constant 0 : i32
      %dma_wait3A_667 = tpu.memref_slice %arg9[%rem3A_665, %dma_wait3A, %dma_wait3A_666] : memref<12x32x128xf32, #tpu.memory_space<vmem>> -> memref<1x32x128xf32, #tpu.memory_space<vmem>>
      %dma_wait3A_668 = tpu.memref_squeeze %dma_wait3A_667 : memref<1x32x128xf32, #tpu.memory_space<vmem>> -> memref<32x128xf32, #tpu.memory_space<vmem>>
      %dma_wait3A_669 = arith.constant 0 : i32
      %dma_wait3A_670 = arith.constant 0 : i32
      %dma_wait3A_671 = tpu.memref_slice %arg4[%dma_wait3A_669, %dma_wait3A_670] : memref<32x1000000xf32, #tpu.memory_space<hbm>> -> memref<32x128xf32, #tpu.memory_space<hbm>>
      %dma_wait3A_672 = arith.constant 0 : i32
      %dma_wait3A_673 = arith.constant 0 : i32
      %dma_wait3A_674 = tpu.memref_slice %arg9[%rem3A_665, %dma_wait3A_672, %dma_wait3A_673] : memref<12x32x128xf32, #tpu.memory_space<vmem>> -> memref<1x32x128xf32, #tpu.memory_space<vmem>>
      %dma_wait3A_675 = tpu.memref_squeeze %dma_wait3A_674 : memref<1x32x128xf32, #tpu.memory_space<vmem>> -> memref<32x128xf32, #tpu.memory_space<vmem>>
      %dma_wait3A_676 = arith.constant 0 : i32
      %dma_wait3A_677 = arith.constant 0 : i32
      %dma_wait3A_678 = tpu.memref_slice %arg4[%dma_wait3A_676, %dma_wait3A_677] : memref<32x1000000xf32, #tpu.memory_space<hbm>> -> memref<32x128xf32, #tpu.memory_space<hbm>>
      tpu.wait_dma2 semaphore(%arg12 : memref<!tpu.dma_semaphore, #tpu.memory_space<semaphore_mem>>) src(%dma_wait3A_678 : memref<32x128xf32, #tpu.memory_space<hbm>>) dst(%dma_wait3A_675 : memref<32x128xf32, #tpu.memory_space<vmem>>)
      %dma_wait3A_679 = arith.constant 0 : i32
      %dma_wait3A_680 = arith.constant 0 : i32
      %dma_wait3A_681 = tpu.memref_slice %arg10[%rem3A_665, %dma_wait3A_679, %dma_wait3A_680] : memref<12x32x128xf32, #tpu.memory_space<vmem>> -> memref<1x32x128xf32, #tpu.memory_space<vmem>>
      %dma_wait3A_682 = tpu.memref_squeeze %dma_wait3A_681 : memref<1x32x128xf32, #tpu.memory_space<vmem>> -> memref<32x128xf32, #tpu.memory_space<vmem>>
      %dma_wait3A_683 = arith.constant 0 : i32
      %dma_wait3A_684 = arith.constant 0 : i32
      %dma_wait3A_685 = tpu.memref_slice %arg5[%dma_wait3A_683, %dma_wait3A_684] : memref<32x1000000xf32, #tpu.memory_space<hbm>> -> memref<32x128xf32, #tpu.memory_space<hbm>>
      %dma_wait3A_686 = arith.constant 0 : i32
      %dma_wait3A_687 = arith.constant 0 : i32
      %dma_wait3A_688 = tpu.memref_slice %arg10[%rem3A_665, %dma_wait3A_686, %dma_wait3A_687] : memref<12x32x128xf32, #tpu.memory_space<vmem>> -> memref<1x32x128xf32, #tpu.memory_space<vmem>>
      %dma_wait3A_689 = tpu.memref_squeeze %dma_wait3A_688 : memref<1x32x128xf32, #tpu.memory_space<vmem>> -> memref<32x128xf32, #tpu.memory_space<vmem>>
      %dma_wait3A_690 = arith.constant 0 : i32
      %dma_wait3A_691 = arith.constant 0 : i32
      %dma_wait3A_692 = tpu.memref_slice %arg5[%dma_wait3A_690, %dma_wait3A_691] : memref<32x1000000xf32, #tpu.memory_space<hbm>> -> memref<32x128xf32, #tpu.memory_space<hbm>>
      tpu.wait_dma2 semaphore(%arg13 : memref<!tpu.dma_semaphore, #tpu.memory_space<semaphore_mem>>) src(%dma_wait3A_692 : memref<32x128xf32, #tpu.memory_space<hbm>>) dst(%dma_wait3A_689 : memref<32x128xf32, #tpu.memory_space<vmem>>)
      %shift_right_arithmetic3A_693 = arith.constant 4 : i32
      %shift_right_arithmetic3A_694 = arith.shrsi %scan3A_663, %shift_right_arithmetic3A_693 : i32
      %mul3A_695 = arith.constant 16 : i32
      %mul3A_696 = arith.muli %shift_right_arithmetic3A_694, %mul3A_695 : i32
      %get3A_697 = arith.index_cast %mul3A_696 : i32 to index
      %get3A_698 = tpu.vector_load %arg7[%get3A_697] {strides = array<i32>} : memref<512xi32, #tpu.memory_space<vmem>>, vector<16xi32>,
      %and3A = arith.constant 15 : i32
      %and3A_699 = arith.andi %scan3A_663, %and3A : i32
      %broadcast_in_dim3A_700 = vector.broadcast %and3A_699 : i32 to vector<16xi32>
      %broadcast_in_dim3A_701 = vector.shape_cast %broadcast_in_dim3A_700 : vector<16xi32> to vector<16x1xi32>
      %gather3A_702 = vector.shape_cast %broadcast_in_dim3A_701 : vector<16x1xi32> to vector<16xi32>
      %gather3A_703 = tpu.dynamic_gather %get3A_698[%gather3A_702] in [0] : vector<16xi32>, vector<16xi32> -> vector<16xi32>
      %slice3A_704 = vector.extract_strided_slice %gather3A_703 {offsets = [0], sizes = [1], strides = [1]} : vector<16xi32> to vector<1xi32>
      %squeeze3A_705 = vector.extract %slice3A_704[0] : i32 from vector<1xi32>
      %shift_right_arithmetic3A_706 = arith.constant 4 : i32
      %shift_right_arithmetic3A_707 = arith.shrsi %scan3A_663, %shift_right_arithmetic3A_706 : i32
      %mul3A_708 = arith.constant 16 : i32
      %mul3A_709 = arith.muli %shift_right_arithmetic3A_707, %mul3A_708 : i32
      %get3A_710 = arith.index_cast %mul3A_709 : i32 to index
      %get3A_711 = tpu.vector_load %arg8[%get3A_710] {strides = array<i32>} : memref<512xi32, #tpu.memory_space<vmem>>, vector<16xi32>,
      %and3A_712 = arith.constant 15 : i32
      %and3A_713 = arith.andi %scan3A_663, %and3A_712 : i32
      %broadcast_in_dim3A_714 = vector.broadcast %and3A_713 : i32 to vector<16xi32>
      %broadcast_in_dim3A_715 = vector.shape_cast %broadcast_in_dim3A_714 : vector<16xi32> to vector<16x1xi32>
      %gather3A_716 = vector.shape_cast %broadcast_in_dim3A_715 : vector<16x1xi32> to vector<16xi32>
      %gather3A_717 = tpu.dynamic_gather %get3A_711[%gather3A_716] in [0] : vector<16xi32>, vector<16xi32> -> vector<16xi32>
      %slice3A_718 = vector.extract_strided_slice %gather3A_717 {offsets = [0], sizes = [1], strides = [1]} : vector<16xi32> to vector<1xi32>
      %squeeze3A_719 = vector.extract %slice3A_718[0] : i32 from vector<1xi32>
      %and3A_720 = arith.constant 127 : i32
      %and3A_721 = arith.andi %squeeze3A_705, %and3A_720 : i32
      %broadcast_in_dim3A_722 = vector.broadcast %and3A_721 : i32 to vector<16xi32>
      %and3A_723 = arith.constant 127 : i32
      %and3A_724 = arith.andi %squeeze3A_719, %and3A_723 : i32
      %broadcast_in_dim3A_725 = vector.broadcast %and3A_724 : i32 to vector<16xi32>
      %gather3A_726 = arith.constant 0 : i32
      %gather3A_727 = arith.constant 0 : i32
      %gather3A_728 = tpu.memref_slice %arg9[%rem3A_665, %gather3A_726, %gather3A_727] : memref<12x32x128xf32, #tpu.memory_space<vmem>> -> memref<1x32x128xf32, #tpu.memory_space<vmem>>
      %gather3A_729 = tpu.memref_squeeze %gather3A_728 : memref<1x32x128xf32, #tpu.memory_space<vmem>> -> memref<32x128xf32, #tpu.memory_space<vmem>>
      %gather3A_730 = tpu.vector_load_idx %gather3A_729[%iota3A, %broadcast_in_dim3A_722] : memref<32x128xf32, #tpu.memory_space<vmem>>[vector<16xi32>, vector<16xi32>], vector<16xf32>,
      %gather3A_731 = arith.constant 0 : i32
      %gather3A_732 = arith.constant 0 : i32
      %gather3A_733 = tpu.memref_slice %arg9[%rem3A_665, %gather3A_731, %gather3A_732] : memref<12x32x128xf32, #tpu.memory_space<vmem>> -> memref<1x32x128xf32, #tpu.memory_space<vmem>>
      %gather3A_734 = tpu.memref_squeeze %gather3A_733 : memref<1x32x128xf32, #tpu.memory_space<vmem>> -> memref<32x128xf32, #tpu.memory_space<vmem>>
      %gather3A_735 = tpu.vector_load_idx %gather3A_734[%add3A_5, %broadcast_in_dim3A_722] : memref<32x128xf32, #tpu.memory_space<vmem>>[vector<16xi32>, vector<16xi32>], vector<16xf32>,
      %gather3A_736 = arith.constant 0 : i32
      %gather3A_737 = arith.constant 0 : i32
      %gather3A_738 = tpu.memref_slice %arg10[%rem3A_665, %gather3A_736, %gather3A_737] : memref<12x32x128xf32, #tpu.memory_space<vmem>> -> memref<1x32x128xf32, #tpu.memory_space<vmem>>
      %gather3A_739 = tpu.memref_squeeze %gather3A_738 : memref<1x32x128xf32, #tpu.memory_space<vmem>> -> memref<32x128xf32, #tpu.memory_space<vmem>>
      %gather3A_740 = tpu.vector_load_idx %gather3A_739[%iota3A, %broadcast_in_dim3A_725] : memref<32x128xf32, #tpu.memory_space<vmem>>[vector<16xi32>, vector<16xi32>], vector<16xf32>,
      %gather3A_741 = arith.constant 0 : i32
      %gather3A_742 = arith.constant 0 : i32
      %gather3A_743 = tpu.memref_slice %arg10[%rem3A_665, %gather3A_741, %gather3A_742] : memref<12x32x128xf32, #tpu.memory_space<vmem>> -> memref<1x32x128xf32, #tpu.memory_space<vmem>>
      %gather3A_744 = tpu.memref_squeeze %gather3A_743 : memref<1x32x128xf32, #tpu.memory_space<vmem>> -> memref<32x128xf32, #tpu.memory_space<vmem>>
      %gather3A_745 = tpu.vector_load_idx %gather3A_744[%add3A_5, %broadcast_in_dim3A_725] : memref<32x128xf32, #tpu.memory_space<vmem>>[vector<16xi32>, vector<16xi32>], vector<16xf32>,
      %mul3A_746 = arith.mulf %gather3A_730, %gather3A_740 : vector<16xf32>
      %mul3A_747 = arith.mulf %gather3A_735, %gather3A_745 : vector<16xf32>
      %add3A_748 = arith.addf %mul3A_746, %mul3A_747 : vector<16xf32>
      %broadcast_in_dim3A_749 = vector.shape_cast %xor3A_7 : vector<16xi32> to vector<16x1xi32>
      %gather3A_750 = vector.shape_cast %broadcast_in_dim3A_749 : vector<16x1xi32> to vector<16xi32>
      %gather3A_751 = tpu.dynamic_gather %add3A_748[%gather3A_750] in [0] : vector<16xf32>, vector<16xi32> -> vector<16xf32>
      %add3A_752 = arith.addf %add3A_748, %gather3A_751 : vector<16xf32>
      %broadcast_in_dim3A_753 = vector.shape_cast %xor3A_10 : vector<16xi32> to vector<16x1xi32>
      %gather3A_754 = vector.shape_cast %broadcast_in_dim3A_753 : vector<16x1xi32> to vector<16xi32>
      %gather3A_755 = tpu.dynamic_gather %add3A_752[%gather3A_754] in [0] : vector<16xf32>, vector<16xi32> -> vector<16xf32>
      %add3A_756 = arith.addf %add3A_752, %gather3A_755 : vector<16xf32>
      %broadcast_in_dim3A_757 = vector.shape_cast %xor3A_13 : vector<16xi32> to vector<16x1xi32>
      %gather3A_758 = vector.shape_cast %broadcast_in_dim3A_757 : vector<16x1xi32> to vector<16xi32>
      %gather3A_759 = tpu.dynamic_gather %add3A_756[%gather3A_758] in [0] : vector<16xf32>, vector<16xi32> -> vector<16xf32>
      %add3A_760 = arith.addf %add3A_756, %gather3A_759 : vector<16xf32>
      %broadcast_in_dim3A_761 = vector.shape_cast %xor3A_16 : vector<16xi32> to vector<16x1xi32>
      %gather3A_762 = vector.shape_cast %broadcast_in_dim3A_761 : vector<16x1xi32> to vector<16xi32>
      %gather3A_763 = tpu.dynamic_gather %add3A_760[%gather3A_762] in [0] : vector<16xf32>, vector<16xi32> -> vector<16xf32>
      %add3A_764 = arith.addf %add3A_760, %gather3A_763 : vector<16xf32>
      %and3A_765 = arith.constant 15 : i32
      %and3A_766 = arith.andi %scan3A_663, %and3A_765 : i32
      %eq3A = vector.broadcast %and3A_766 : i32 to vector<16xi32>
      %eq3A_767 = arith.cmpi eq, %iota3A, %eq3A : vector<16xi32>
      %select_n3A = arith.select %eq3A_767, %add3A_764, %scan3A_664 : vector<16xi1>, vector<16xf32>
      %and3A_768 = arith.constant 15 : i32
      %and3A_769 = arith.andi %scan3A_663, %and3A_768 : i32
      %eq3A_770 = arith.constant 15 : i32
      %eq3A_771 = arith.cmpi eq, %and3A_769, %eq3A_770 : i32
      %convert_element_type3A = arith.extui %eq3A_771 : i1 to i32
      %cond3A = arith.constant 0 : i32
      %cond3A_772 = arith.cmpi ne, %convert_element_type3A, %cond3A : i32
      scf.if %cond3A_772 {
        %shift_right_arithmetic3A_786 = arith.constant 4 : i32
        %shift_right_arithmetic3A_787 = arith.shrsi %scan3A_663, %shift_right_arithmetic3A_786 : i32
        %mul3A_788 = arith.constant 16 : i32
        %mul3A_789 = arith.muli %shift_right_arithmetic3A_787, %mul3A_788 : i32
        %swap3A = arith.index_cast %mul3A_789 : i32 to index
        %swap3A_790 = tpu.vector_load %arg11[%swap3A] {strides = array<i32>} : memref<512xf32, #tpu.memory_space<vmem>>, vector<16xf32>,
        tpu.vector_store %arg11[%swap3A], %select_n3A {strides = array<i32>} : memref<512xf32, #tpu.memory_space<vmem>>, vector<16xf32>,
      } else {
      }
      %and3A_773 = arith.constant 15 : i32
      %and3A_774 = arith.andi %scan3A_663, %and3A_773 : i32
      %eq3A_775 = arith.constant 15 : i32
      %eq3A_776 = arith.cmpi eq, %and3A_774, %eq3A_775 : i32
      %broadcast_in_dim3A_777 = arith.constant 0.000000e+00 : f32
      %broadcast_in_dim3A_778 = vector.broadcast %broadcast_in_dim3A_777 : f32 to vector<16xf32>
      %select_n3A_779 = arith.select %eq3A_776, %broadcast_in_dim3A_778, %select_n3A : vector<16xf32>
      %add3A_780 = arith.constant 12 : i32
      %add3A_781 = arith.addi %scan3A_663, %add3A_780 : i32
      %lt3A = arith.constant 512 : i32
      %lt3A_782 = arith.cmpi slt, %add3A_781, %lt3A : i32
      %convert_element_type3A_783 = arith.extui %lt3A_782 : i1 to i32
      %cond3A_784 = arith.constant 0 : i32
      %cond3A_785 = arith.cmpi ne, %convert_element_type3A_783, %cond3A_784 : i32
      scf.if %cond3A_785 {
        %add3A_786 = arith.constant 12 : i32
        %add3A_787 = arith.addi %scan3A_663, %add3A_786 : i32
        %shift_right_arithmetic3A_788 = arith.constant 4 : i32
        %shift_right_arithmetic3A_789 = arith.shrsi %add3A_787, %shift_right_arithmetic3A_788 : i32
        %mul3A_790 = arith.constant 16 : i32
        %mul3A_791 = arith.muli %shift_right_arithmetic3A_789, %mul3A_790 : i32
        %get3A_792 = arith.index_cast %mul3A_791 : i32 to index
        %get3A_793 = tpu.vector_load %arg7[%get3A_792] {strides = array<i32>} : memref<512xi32, #tpu.memory_space<vmem>>, vector<16xi32>,
        %and3A_794 = arith.constant 15 : i32
        %and3A_795 = arith.andi %add3A_787, %and3A_794 : i32
        %broadcast_in_dim3A_796 = vector.broadcast %and3A_795 : i32 to vector<16xi32>
        %broadcast_in_dim3A_797 = vector.shape_cast %broadcast_in_dim3A_796 : vector<16xi32> to vector<16x1xi32>
        %gather3A_798 = vector.shape_cast %broadcast_in_dim3A_797 : vector<16x1xi32> to vector<16xi32>
        %gather3A_799 = tpu.dynamic_gather %get3A_793[%gather3A_798] in [0] : vector<16xi32>, vector<16xi32> -> vector<16xi32>
        %slice3A_800 = vector.extract_strided_slice %gather3A_799 {offsets = [0], sizes = [1], strides = [1]} : vector<16xi32> to vector<1xi32>
        %squeeze3A_801 = vector.extract %slice3A_800[0] : i32 from vector<1xi32>
        %shift_right_arithmetic3A_802 = arith.constant 4 : i32
        %shift_right_arithmetic3A_803 = arith.shrsi %add3A_787, %shift_right_arithmetic3A_802 : i32
        %mul3A_804 = arith.constant 16 : i32
        %mul3A_805 = arith.muli %shift_right_arithmetic3A_803, %mul3A_804 : i32
        %get3A_806 = arith.index_cast %mul3A_805 : i32 to index
        %get3A_807 = tpu.vector_load %arg8[%get3A_806] {strides = array<i32>} : memref<512xi32, #tpu.memory_space<vmem>>, vector<16xi32>,
        %and3A_808 = arith.constant 15 : i32
        %and3A_809 = arith.andi %add3A_787, %and3A_808 : i32
        %broadcast_in_dim3A_810 = vector.broadcast %and3A_809 : i32 to vector<16xi32>
        %broadcast_in_dim3A_811 = vector.shape_cast %broadcast_in_dim3A_810 : vector<16xi32> to vector<16x1xi32>
        %gather3A_812 = vector.shape_cast %broadcast_in_dim3A_811 : vector<16x1xi32> to vector<16xi32>
        %gather3A_813 = tpu.dynamic_gather %get3A_807[%gather3A_812] in [0] : vector<16xi32>, vector<16xi32> -> vector<16xi32>
        %slice3A_814 = vector.extract_strided_slice %gather3A_813 {offsets = [0], sizes = [1], strides = [1]} : vector<16xi32> to vector<1xi32>
        %squeeze3A_815 = vector.extract %slice3A_814[0] : i32 from vector<1xi32>
        %shift_right_arithmetic3A_816 = arith.constant 7 : i32
        %shift_right_arithmetic3A_817 = arith.shrsi %squeeze3A_801, %shift_right_arithmetic3A_816 : i32
        %shift_left3A_818 = arith.constant 7 : i32
        %shift_left3A_819 = arith.shli %shift_right_arithmetic3A_817, %shift_left3A_818 : i32
        %multiple_of3A_820 = tpu.assume_multiple %shift_left3A_819, 128 : i32
        %shift_right_arithmetic3A_821 = arith.constant 7 : i32
        %shift_right_arithmetic3A_822 = arith.shrsi %squeeze3A_815, %shift_right_arithmetic3A_821 : i32
        %shift_left3A_823 = arith.constant 7 : i32
        %shift_left3A_824 = arith.shli %shift_right_arithmetic3A_822, %shift_left3A_823 : i32
        %multiple_of3A_825 = tpu.assume_multiple %shift_left3A_824, 128 : i32
        %dma_start3A_826 = arith.constant 0 : i32
        %dma_start3A_827 = arith.constant 0 : i32
        %dma_start3A_828 = tpu.memref_slice %arg9[%rem3A_665, %dma_start3A_826, %dma_start3A_827] : memref<12x32x128xf32, #tpu.memory_space<vmem>> -> memref<1x32x128xf32, #tpu.memory_space<vmem>>
        %dma_start3A_829 = tpu.memref_squeeze %dma_start3A_828 : memref<1x32x128xf32, #tpu.memory_space<vmem>> -> memref<32x128xf32, #tpu.memory_space<vmem>>
        %dma_start3A_830 = arith.constant 0 : i32
        %dma_start3A_831 = tpu.memref_slice %arg4[%dma_start3A_830, %multiple_of3A_820] : memref<32x1000000xf32, #tpu.memory_space<hbm>> -> memref<32x128xf32, #tpu.memory_space<hbm>>
        %dma_start3A_832 = arith.constant 0 : i32
        %dma_start3A_833 = arith.constant 0 : i32
        %dma_start3A_834 = tpu.memref_slice %arg9[%rem3A_665, %dma_start3A_832, %dma_start3A_833] : memref<12x32x128xf32, #tpu.memory_space<vmem>> -> memref<1x32x128xf32, #tpu.memory_space<vmem>>
        %dma_start3A_835 = tpu.memref_squeeze %dma_start3A_834 : memref<1x32x128xf32, #tpu.memory_space<vmem>> -> memref<32x128xf32, #tpu.memory_space<vmem>>
        %dma_start3A_836 = arith.constant 0 : i32
        %dma_start3A_837 = tpu.memref_slice %arg4[%dma_start3A_836, %multiple_of3A_820] : memref<32x1000000xf32, #tpu.memory_space<hbm>> -> memref<32x128xf32, #tpu.memory_space<hbm>>
        tpu.enqueue_dma source(%dma_start3A_837 : memref<32x128xf32, #tpu.memory_space<hbm>>) target(%dma_start3A_835 : memref<32x128xf32, #tpu.memory_space<vmem>>) target_semaphore(%arg12 : memref<!tpu.dma_semaphore, #tpu.memory_space<semaphore_mem>>)
        %dma_start3A_838 = arith.constant 0 : i32
        %dma_start3A_839 = arith.constant 0 : i32
        %dma_start3A_840 = tpu.memref_slice %arg10[%rem3A_665, %dma_start3A_838, %dma_start3A_839] : memref<12x32x128xf32, #tpu.memory_space<vmem>> -> memref<1x32x128xf32, #tpu.memory_space<vmem>>
        %dma_start3A_841 = tpu.memref_squeeze %dma_start3A_840 : memref<1x32x128xf32, #tpu.memory_space<vmem>> -> memref<32x128xf32, #tpu.memory_space<vmem>>
        %dma_start3A_842 = arith.constant 0 : i32
        %dma_start3A_843 = tpu.memref_slice %arg5[%dma_start3A_842, %multiple_of3A_825] : memref<32x1000000xf32, #tpu.memory_space<hbm>> -> memref<32x128xf32, #tpu.memory_space<hbm>>
        %dma_start3A_844 = arith.constant 0 : i32
        %dma_start3A_845 = arith.constant 0 : i32
        %dma_start3A_846 = tpu.memref_slice %arg10[%rem3A_665, %dma_start3A_844, %dma_start3A_845] : memref<12x32x128xf32, #tpu.memory_space<vmem>> -> memref<1x32x128xf32, #tpu.memory_space<vmem>>
        %dma_start3A_847 = tpu.memref_squeeze %dma_start3A_846 : memref<1x32x128xf32, #tpu.memory_space<vmem>> -> memref<32x128xf32, #tpu.memory_space<vmem>>
        %dma_start3A_848 = arith.constant 0 : i32
        %dma_start3A_849 = tpu.memref_slice %arg5[%dma_start3A_848, %multiple_of3A_825] : memref<32x1000000xf32, #tpu.memory_space<hbm>> -> memref<32x128xf32, #tpu.memory_space<hbm>>
        tpu.enqueue_dma source(%dma_start3A_849 : memref<32x128xf32, #tpu.memory_space<hbm>>) target(%dma_start3A_847 : memref<32x128xf32, #tpu.memory_space<vmem>>) target_semaphore(%arg13 : memref<!tpu.dma_semaphore, #tpu.memory_space<semaphore_mem>>)
      } else {
      }
      scf.yield %select_n3A_779 : vector<16xf32>
    }
    %scan3A_662 = arith.constant 512 : i32
    "tpu.region"() ({
      %run_scoped3A = tpu.sem_alloc : memref<!tpu.dma_semaphore, #tpu.memory_space<semaphore_mem>>
      %dma_start3A_663 = tpu.memref_slice %arg6[%mul3A_2] : memref<16384xf32, #tpu.memory_space<hbm>> -> memref<512xf32, #tpu.memory_space<hbm>>
      %dma_start3A_664 = tpu.memref_slice %arg6[%mul3A_2] : memref<16384xf32, #tpu.memory_space<hbm>> -> memref<512xf32, #tpu.memory_space<hbm>>
      tpu.enqueue_dma source(%arg11 : memref<512xf32, #tpu.memory_space<vmem>>) target(%dma_start3A_664 : memref<512xf32, #tpu.memory_space<hbm>>) target_semaphore(%run_scoped3A : memref<!tpu.dma_semaphore, #tpu.memory_space<semaphore_mem>>)
      %dma_wait3A = tpu.memref_slice %arg6[%mul3A_2] : memref<16384xf32, #tpu.memory_space<hbm>> -> memref<512xf32, #tpu.memory_space<hbm>>
      %dma_wait3A_665 = tpu.memref_slice %arg6[%mul3A_2] : memref<16384xf32, #tpu.memory_space<hbm>> -> memref<512xf32, #tpu.memory_space<hbm>>
      tpu.wait_dma2 semaphore(%run_scoped3A : memref<!tpu.dma_semaphore, #tpu.memory_space<semaphore_mem>>) src(%arg11 : memref<512xf32, #tpu.memory_space<vmem>>) dst(%dma_wait3A_665 : memref<512xf32, #tpu.memory_space<hbm>>)
      tpu.yield
    }) : () -> ()
    return
  }
}

</mosaic_0001>

<sc_bundles>
// kernel: kernel.3.cloned.1.call-start
scs
__scs_entry_jumppad:
0x0: {  	(pc) =	sbr.rel $0x88, $3  }
0x1: {  	(tag) =	ssettag $0x0;
	lr =	simm.s32 $0x1  }
0x2: {  	[smem:$0x3F9D] =	sst lr;
	_ =	strace $0xD0000000  }
0x3: {  	_ = 	snop  }
0x4: {  	_ = 	snop  }
0x5: {  	_ = 	snop  }
0x6: {  	_ = 	snop  }
0x7: {  	_ = 	snop  }
__scs_overlays_trampoline_lowered:
0x8: {  	[smem:$0x3FAC] =	sst s0  }
0x9: {  	[smem:$0x3FAD] =	sst s1  }
0xa: {  	[smem:$0x3FAE] =	sst s2  }
0xb: {  	[smem:$0x3FAF] =	sst s3  }
0xc: {  	[smem:$0x3FB0] =	sst s4  }
0xd: {  	[smem:$0x3FB1] =	sst s5  }
0xe: {  	[smem:$0x3FB2] =	sst s6  }
0xf: {  	[smem:$0x3FB3] =	sst s7  }
0x10: {  	[smem:$0x3FB4] =	sst s8  }
0x11: {  	[smem:$0x3FB5] =	sst s9;
	s0 =	simm.s32 @!p0 $0x0  }
0x12: {  	s1 =	sld [smem:$0x3F9B];
	s0 =	simm.s32 @p0 $0x1  }
0x13: {  	[smem:$0x3FB6] =	sst s0;
	s0 =	simm.s32 @!p1 $0x0  }
0x14: {  	s2 =	sld [smem:$0x3F9A];
	s0 =	simm.s32 @p1 $0x1  }
0x15: {  	[smem:$0x3FB7] =	sst s0;
	s0 =	simm.s32 @!p2 $0x0  }
0x16: {  	s3 =	sld [smem:$0x3FDB];
	s0 =	simm.s32 @p2 $0x1  }
0x17: {  	s4 =	simm.s32 $0x1BF5;
	[smem:$0x3FB9] =	sst s0  }
0x18: {  	s0 =	sld [smem:$0x3F9C];
	_ =	swait.ge [sflag:s4], $0x0  }
0x19: {  	s7 =	sld [smem:$0x3F9D]  }
0x1a: {  	s8 =	sadd.s32 $0xFFFFE003, lr  }
0x1b: {  	s9 =	sadd.s32 $0xFFFFFEF7, lr;
	s5 =	simm.s32 $0xFFFFFFFF;
	p2 =	slt.u32 s8, $0xFFFFF086  }
0x1c: {  	p1 =	slt.u32 s9, $0xF7A;
	s5 =	simm.s32 @!p2 $0x0  }
0x1d: {  	s5 =	simm.s32 @p1 $0x1;
	p0 =	seq.s32 s7, s2  }
0x1e: {  	s7 =	smul.u32 @!p0 $0xF7A, s2;
	p2 =	seq.s32 @!p0 s5, $0x0  }
0x1f: {  	s9 =	smul.u32 $0xF7A, s1;
	s8 =	simm.s32 @!p0 $0x1BF5;
	p2 =	por !p2, p0  }
0x20: {  	[sflag:s8] =	ssyncset.s32 @!p0 $0xFFFFF086;
	s6 =	sadd.s32 @!p0 s3, s7;
	s7 =	simm.s32 @!p0 $0x108  }
0x21: {  	s3 =	sadd.s32 s3, s9;
	s6 =	sadd.s32 @!p0 $0x88, s6;
	s7 =	simm.s32 @p2 $0x1082  }
0x22: {  	[simem:s7], [sflag:s8] =	dma.local @!p0 [hbm:s6], $0xF7A  }
0x23: {  	s9 =	sor.u32 $0xD0000000, s2;
	s6 =	simm.s32 $0x108;
	_ =	swait.ge @!p0 [sflag:s8], $0x0  }
0x24: {  	s3 =	sadd.s32 $0x88, s3;
	s6 =	simm.s32 @!p1 $0x1082;
	[sflag:s4] =	ssyncset.s32 $0xFFFFF086  }
0x25: {  	[simem:s6], [sflag:s4] =	dma.local [hbm:s3], $0xF7A  }
0x26: {  	[smem:$0x3F9D] =	sst s1;
	(tag) =	ssettag s2;
	_ =	strace s9  }
0x27: {  	s1 =	sld [smem:$0x3FAD]  }
0x28: {  	s2 =	sld [smem:$0x3FAE]  }
0x29: {  	s4 =	sld [smem:$0x3FB0]  }
0x2a: {  	p0 =	seq.s32 s5, $0x0;
	s5 =	sld [smem:$0x3FB1]  }
0x2b: {  	s6 =	sld [smem:$0x3FB2]  }
0x2c: {  	s7 =	sld [smem:$0x3FB3]  }
0x2d: {  	s3 =	simm.s32 $0x108;
	s8 =	sld [smem:$0x3FB4]  }
0x2e: {  	s3 =	simm.s32 @!p0 $0x1082;
	s9 =	sld [smem:$0x3FB5]  }
0x2f: {  	lr =	sadd.s32 s0, s3;
	s0 =	sld [smem:$0x3FAC]  }
0x30: {  	s3 =	sld [smem:$0x3FAF]  }
0x31: {  	[smem:$0x3FB8] =	sst s10  }
0x32: {  	s10 =	sld [smem:$0x3FB6];
	_ =	sdelay $0x3  }
0x33: {  	p0 =	seq.s32 s10, $0x1;
	s10 =	sld [smem:$0x3FB8];
	_ =	sdelay $0x3  }
0x34: {  	[smem:$0x3FB8] =	sst s10  }
0x35: {  	s10 =	sld [smem:$0x3FB7];
	_ =	sdelay $0x3  }
0x36: {  	p1 =	seq.s32 s10, $0x1;
	s10 =	sld [smem:$0x3FB8];
	_ =	sdelay $0x3  }
0x37: {  	[smem:$0x3FB8] =	sst s10  }
0x38: {  	s10 =	sld [smem:$0x3FB9]  }
0x39: {  	_ = 	snop;
	(pc) =	sbr.ind lr, $3  }
0x3a: {  	_ = 	snop  }
0x3b: {  	_ = 	snop  }
0x3c: {  	p2 =	seq.s32 s10, $0x1;
	s10 =	sld [smem:$0x3FB8]  }
0x3d: {  	_ =	shalt  }
0x3e: {  	_ =	shalt  }
0x3f: {  	_ =	shalt  }
0x40: {  	_ =	shalt  }
0x41: {  	_ =	shalt  }
0x42: {  	_ =	shalt  }
0x43: {  	_ =	shalt  }
0x44: {  	_ =	shalt  }
0x45: {  	_ =	shalt  }
0x46: {  	_ =	shalt  }
0x47: {  	_ =	shalt  }
0x48: {  	_ =	shalt  }
0x49: {  	_ =	shalt  }
0x4a: {  	_ =	shalt  }
0x4b: {  	_ =	shalt  }
0x4c: {  	_ =	shalt  }
0x4d: {  	_ =	shalt  }
0x4e: {  	_ =	shalt  }
0x4f: {  	_ =	shalt  }
0x50: {  	_ =	shalt  }
0x51: {  	_ =	shalt  }
0x52: {  	_ =	shalt  }
0x53: {  	_ =	shalt  }
0x54: {  	_ =	shalt  }
0x55: {  	_ =	shalt  }
0x56: {  	_ =	shalt  }
0x57: {  	_ =	shalt  }
0x58: {  	_ =	shalt  }
0x59: {  	_ =	shalt  }
0x5a: {  	_ =	shalt  }
0x5b: {  	_ =	shalt  }
0x5c: {  	_ =	shalt  }
0x5d: {  	_ =	shalt  }
0x5e: {  	_ =	shalt  }
0x5f: {  	_ =	shalt  }
0x60: {  	_ =	shalt  }
0x61: {  	_ =	shalt  }
0x62: {  	_ =	shalt  }
0x63: {  	_ =	shalt  }
0x64: {  	_ =	shalt  }
0x65: {  	_ =	shalt  }
0x66: {  	_ =	shalt  }
0x67: {  	_ =	shalt  }
0x68: {  	_ =	shalt  }
0x69: {  	_ =	shalt  }
0x6a: {  	_ =	shalt  }
0x6b: {  	_ =	shalt  }
0x6c: {  	_ =	shalt  }
0x6d: {  	_ =	shalt  }
0x6e: {  	_ =	shalt  }
0x6f: {  	_ =	shalt  }
0x70: {  	_ =	shalt  }
0x71: {  	_ =	shalt  }
0x72: {  	_ =	shalt  }
0x73: {  	_ =	shalt  }
0x74: {  	_ =	shalt  }
0x75: {  	_ =	shalt  }
0x76: {  	_ =	shalt  }
0x77: {  	_ =	shalt  }
0x78: {  	_ =	shalt  }
0x79: {  	_ =	shalt  }
0x7a: {  	_ =	shalt  }
0x7b: {  	_ =	shalt  }
0x7c: {  	_ =	shalt  }
0x7d: {  	_ =	shalt  }
0x7e: {  	_ =	shalt  }
0x7f: {  	_ =	shalt  }
0x80: {  	_ =	shalt  }
0x81: {  	_ =	shalt  }
0x82: {  	_ =	shalt  }
0x83: {  	_ =	shalt  }
0x84: {  	_ =	shalt  }
0x85: {  	_ =	shalt  }
0x86: {  	_ =	shalt  }
0x87: {  	_ =	shalt  }
.Lfunc_end0:
.L_simem_size_0:
called_computation_lowered:
.L_overlay_start_0:
0x88: {  	s2 =	sld [smem:$0x3FD9]  }
0x89: {  	s3 =	sld [smem:$0x3FFE];
	_ =	sdelay $0x1  }
0x8a: {  	s1 =	srdreg.scid  }
0x8b: {  	s0 =	sand.u32 $0x1, s1  }
0x8c: {  	s18 =	sshll.u32 s0, $0xA;
	s2 =	sadd.s32 s3, s2  }
0x8d: {  	s2 =	sadd.s32 s2, s18  }
0x8e: {  	[smem:$0x3FC4] =	sst s2  }
0x8f: {  	_ = 	snop  }
0x90: {  	s2 =	sld [smem:$0x3FC9]  }
0x91: {  	s19 =	sld [smem:$0x3FC8]  }
0x92: {  	s4 =	sld [smem:$0x3FC7]  }
0x93: {  	s5 =	sld [smem:$0x3FC6]  }
0x94: {  	s6 =	sld [smem:$0x3FD0];
	(tm) =	ssettm $0x1  }
0x95: {  	s7 =	sld [smem:$0x3FFB];
	_ =	sdelay $0x3  }
0x96: {  	_ =	strace s7  }
0x97: {  	s7 =	sld [smem:$0x3FFC];
	_ =	sdelay $0x3  }
0x98: {  	_ =	strace s7  }
0x99: {  	s7 =	sld [smem:$0x3FFD];
	_ =	sdelay $0x3  }
0x9a: {  	_ =	strace s7  }
0x9b: {  	_ =	strace $0x8FFFFFFF  }
0x9c: {  	s20 =	sld [smem:$0x3FDB];
	_ =	sdelay $0x1  }
0x9d: {  	s8 =	simm.s32 $_scs_section_size  }
0x9e: {  	s9 =	simm.s32 $_size__tile_overlayer_lowered;
	s10 =	simm.s32 $_tile_overlayer_lowered  }
0x9f: {  	s23 =	simm.s32 $0x1BFF;
	s22 =	sshll.u32 s10, $0x1;
	s7 =	sadd.s32 s8, s20  }
0xa0: {  	s11 =	simm.s32 $0x0;
	s21 =	sshll.u32 s9, $0x1;
	s9 =	sadd.s32 s22, s7  }
0xa1: {  	[timem:s11], [sflag:s23] =	dma.local [hbm:s9], s21  }
0xa2: {  	_ =	swait.ge [sflag:s23], s21  }
0xa3: {  	s8 =	ssub.s32 $0x0, s21;
	[sflag:s23] =	ssyncset.done $0x0  }
0xa4: {  	[sflag:s23] =	ssyncadd.s32 s8;
	_ =	sdelay $0x1  }
0xa5: {  	s24 =	simm.s32 $0x1B8B  }
0xa6: {  	_ =	swait.ge [sflag:s24], $0x1  }
0xa7: {  	[sflag:s24] =	ssyncset.done $0x0  }
0xa8: {  	s25 =	simm.s32 $0x1B8E;
	[sflag:s24] =	ssyncadd.s32 $0xFFFFFFFF  }
0xa9: {  	s26 =	simm.s32 $execute0_lowered;
	[smem:$0x3FD2] =	sst s25  }
0xaa: {  	s8 =	sshll.u32 s26, $0x1;
	_ =	strace $0x80000046;
	[dreg:$0x1] =	wrdreg $0xFFFFFFFF  }
0xab: {  	s28 =	simm.s32 $_size_execute0_lowered;
	s7 =	sadd.s32 s7, s8;
	[dreg:$0x0] =	wrdreg $0x0  }
0xac: {  	s8 =	sshll.u32 s28, $0x1;
	[dreg:$0x2] =	wrdreg s7  }
0xad: {  	[dreg:$0x3] =	wrdreg s8  }
0xae: {  	[dreg:$0x4] =	wrdreg $0xC0  }
0xaf: {  	_ =	task [dreg:s11], $0x5FFFF  }
0xb0: {  	[dreg:$0x1] =	wrdreg $0xFFFFFFFF  }
0xb1: {  	[dreg:$0x0] =	wrdreg $0x60  }
0xb2: {  	[dreg:$0x2] =	wrdreg s2  }
0xb3: {  	[dreg:$0x3] =	wrdreg s19  }
0xb4: {  	[dreg:$0x4] =	wrdreg s4  }
0xb5: {  	[dreg:$0x5] =	wrdreg s5  }
0xb6: {  	[dreg:$0x6] =	wrdreg s6  }
0xb7: {  	[dreg:$0x7] =	wrdreg $0x9  }
0xb8: {  	_ =	task.clear_ibuf [dreg:s11], $0x8FFFF;
	_ =	strace $0x90000046  }
0xb9: {  	s29 =	simm.s32 $0x9;
	_ =	strace $0x80000048  }
0xba: {  	_ =	swait.ge [sflag:s29], $0x1  }
0xbb: {  	[sflag:s29] =	ssyncadd.s32 $0xFFFFFFFF  }
0xbc: {  	_ =	strace $0x90000048  }
0xbd: {  	_ =	sfence  }
0xbe: {  	s30 =	sld [smem:$0x0];
	_ =	sdelay $0x2  }
0xbf: {  	s31 =	sshll.u32 s1, $0xD;
	s1 =	sshrl.u32 s1, $0x2  }
0xc0: {  	s3 =	sand.u32 $0x4000, s31;
	s1 =	sadd.s32 s1, s30  }
0xc1: {  	s0 =	sor.u32 s3, s0;
	s1 =	sshll.u32 s1, $0x11  }
0xc2: {  	s0 =	sor.u32 s1, s0  }
0xc3: {  	s0 =	sadd.s32 $0x8F2B, s0  }
0xc4: {  	[sflag:s0] =	ssyncadd.remote.s32 $0x1  }
0xc5: {  	_ =	sfence.sel $0xFFFF  }
0xc6: {  	[dreg:$0x0] =	wrdreg $0xFFFFFFFF;
	(pc) =	sbr.abs _section_cstart, $3  }
0xc7: {  	[dreg:$0x1] =	wrdreg $0xFFFFFFFF  }
0xc8: {  	_ =	task.clear_ibuf [dreg:s11], $0x2FFFF;
	_ =	strace $0x9FFFFFFF  }
0xc9: {  	(tm) =	ssettm $0x7FFFFFFF  }
tec
execute0_lowered:
.L_overlay_start_1:
0x0: {  	(tag) =	ssettag $0x1  }
0x1: {  	v0 =	vimm.s32 $0x0;
	v2 =	vimm.s32 $0xFEDCBA98  }
0x2: {  	s0 =	rddreg [dreg:$0x0];
	v1 =	vimm.s32 $0x1;
	v4 =	vimm.s32 $0x76543210;
	v3 =	vimm.s32 $0x3  }
0x3: {  	s3 =	rddreg [dreg:$0x1];
	v5 =	vimm.s32 $0x5;
	v7 =	vimm.s32 $0x7;
	v9 =	vlaneseq.u32  }
0x4: {  	s1 =	rddreg [dreg:$0x2];
	v14 =	vimm.s32 $0x32107654;
	v15 =	vimm.s32 $0xDCFE98BA;
	v16 =	vimm.s32 $0x54761032  }
0x5: {  	s2 =	rddreg [dreg:$0x3];
	v17 =	vimm.s32 $0xEFCDAB89;
	v18 =	vimm.s32 $0x67452301;
	v6 =	vunpack.c.l.s4.s8 v2  }
0x6: {  	s5 =	rddreg [dreg:$0x4];
	s4 =	simm.s32 $0x0;
	s6 =	srdreg.scid;
	v2 =	vimm.s32 $0x2;
	v8 =	vunpack.c.l.s4.s8 v4;
	v4 =	vimm.s32 $0x4  }
0x7: {  	s7 =	stileid.u32;
	s24 =	simm.s32 $0x3;
	s31 =	simm.s32 $0x9400;
	v11 =	vmul.u32 $0x80, v9;
	v14 =	vunpack.c.l.s4.s8 v14;
	v10 =	vunpack.c.0.s8.s32 v6  }
0x8: {  	s11 =	simm.s32 $0x2;
	s12 =	simm.s32 $0x18400;
	s13 =	simm.s32 $0x0;
	v15 =	vunpack.c.l.s4.s8 v15;
	v16 =	vunpack.c.l.s4.s8 v16;
	v12 =	vunpack.c.0.s8.s32 v8  }
0x9: {  	[smem:$0x7FF] =	sst s4;
	s6 =	sand.u32 $0x1, s6;
	s7 =	sshll.u32 s7, $0x7;
	v17 =	vunpack.c.l.s4.s8 v17;
	v18 =	vunpack.c.l.s4.s8 v18;
	v13 =	vand.u32 $0xF, v10  }
0xa: {  	s8 =	ssub.s32 $0x2, s6;
	s6 =	sshll.u32 s6, $0x6;
	_ =	strace $0x80000047;
	v6 =	vimm.s32 $0x6;
	v12 =	vcombine.low v13, v12;
	v13 =	vimm.s32 $0xBA98FEDC  }
0xb: {  	s9 =	sshrl.u32 s8, $0x1;
	s10 =	sor.u32 s6, s7;
	s6 =	simm.s32 $0x7A1400;
	v8 =	vimm.s32 $0x8;
	v14 =	vunpack.c.0.s8.s32 v14;
	v13 =	vunpack.c.l.s4.s8 v13  }
0xc: {  	s7 =	simm.s32 $0x400;
	v20 =	vunpack.c.0.s8.s32 v15;
	v16 =	vunpack.c.0.s8.s32 v16;
	v21 =	vunpack.c.0.s8.s32 v17;
	s8 =	ssub.s32 s8, s9;
	s17 =	sadd.s32 s0, s10  }
0xd: {  	v18 =	vunpack.c.0.s8.s32 v18;
	v15 =	vimm.s32 $0xB;
	s18 =	sadd.s32 s3, s10;
	s22 =	sadd.s32 s5, s10;
	s0 =	simm.s32 $0x15400;
	v19 =	vunpack.c.0.s8.s32 v13  }
0xe: {  	v17 =	vor.u32 $0x800, v11;
	s3 =	simm.s32 $0xA400;
	s5 =	simm.s32 $0x16400;
	s9 =	simm.s32 $0x17400;
	v10 =	vimm.s32 $0x9;
	v16 =	vcombine.low v16, v20  }
0xf: {  	s10 =	simm.s32 $0x1;
	s23 =	smax.u32 s8, $0x1;
	s8 =	simm.s32 $0xB400;
	v18 =	vcombine.low v18, v21;
	v13 =	vimm.s32 $0xA;
	v14 =	vcombine.low v14, v19  }
.LBB2_1:
0x10: {  	[tilespmem:s4], [sflag:$0x3] =	stream.linear.gather [hbm4b:s17+s4], $0x200, $0x38;
	[tilespmem:$0x18600] =	vst v63  }
0x11: {  	_ =	swait.ge [sflag:s24], $0x200  }
0x12: {  	[sflag:s24] =	ssyncset.done $0x0  }
0x13: {  	s14 =	simm.s32 $0x200;
	[sflag:s24] =	ssyncadd.s32 $0xFFFFFE00  }
0x14: {  	[tilespmem:s14], [sflag:$0x3] =	stream.linear.gather [hbm4b:s18+s4], $0x200, $0x38;
	[tilespmem:$0x18600] =	vst v63  }
0x15: {  	_ =	swait.ge [sflag:s24], $0x200  }
0x16: {  	[sflag:s24] =	ssyncset.done $0x0  }
0x17: {  	[sflag:s24] =	ssyncadd.s32 $0xFFFFFE00  }
0x18: {  	v19 =	vld [tilespmem:$0x0];
	_ =	sdelay $0x1  }
0x19: {  	v20 =	vld [tilespmem:$0x200];
	_ =	sdelay $0x2  }
0x1a: {  	v19 =	vperm.xlane v19, v0;
	_ =	sdelay $0x1  }
0x1b: {  	(v2sf) =	vpush v19, $0x0;
	v19 =	vperm.xlane v20, v0;
	_ =	sdelay $0x1  }
0x1c: {  	(v2sf) =	vpush v19, $0x0;
	_ =	sdelay $0xc  }
0x1d: {  	s29 =	spop (v2sf)  }
0x1e: {  	s14 =	sand.u32 $0xFFFFF80, s29  }
0x1f: {  	s14 =	sadd.s32 s1, s14;
	s30 =	spop (v2sf)  }
0x20: {  	[tilespmem:s7], [sflag:$0x1] =	stream.strided.gather [hbm4b:s14+s7], $0x1000, s6, s7, $0x38;
	[tilespmem:$0x18600] =	vst v63  }
0x21: {  	s14 =	sand.u32 $0xFFFFF80, s30  }
0x22: {  	s15 =	simm.s32 $0xC400;
	s14 =	sadd.s32 s2, s14  }
0x23: {  	[tilespmem:s15], [sflag:$0x2] =	stream.strided.gather [hbm4b:s14+s7], $0x1000, s6, s7, $0x38;
	[tilespmem:$0x18600] =	vst v63  }
0x24: {  	v19 =	vld [tilespmem:$0x0];
	_ =	sdelay $0x1  }
0x25: {  	v20 =	vld [tilespmem:$0x200];
	_ =	sdelay $0x2  }
0x26: {  	v19 =	vperm.xlane v19, v1;
	_ =	sdelay $0x1  }
0x27: {  	(v2sf) =	vpush v19, $0x0;
	v19 =	vperm.xlane v20, v1;
	_ =	sdelay $0x1  }
0x28: {  	(v2sf) =	vpush v19, $0x0;
	_ =	sdelay $0xc  }
0x29: {  	s15 =	spop (v2sf)  }
0x2a: {  	s14 =	sand.u32 $0xFFFFF80, s15  }
0x2b: {  	s16 =	simm.s32 $0x1400;
	s14 =	sadd.s32 s1, s14;
	s19 =	spop (v2sf)  }
0x2c: {  	[tilespmem:s16], [sflag:$0x1] =	stream.strided.gather [hbm4b:s14+s7], $0x1000, s6, s7, $0x38;
	[tilespmem:$0x18600] =	vst v63  }
0x2d: {  	s14 =	sand.u32 $0xFFFFF80, s19  }
0x2e: {  	s20 =	simm.s32 $0xD400;
	s14 =	sadd.s32 s2, s14  }
0x2f: {  	[tilespmem:s20], [sflag:$0x2] =	stream.strided.gather [hbm4b:s14+s7], $0x1000, s6, s7, $0x38;
	[tilespmem:$0x18600] =	vst v63  }
0x30: {  	v19 =	vld [tilespmem:$0x0];
	_ =	sdelay $0x1  }
0x31: {  	v20 =	vld [tilespmem:$0x200];
	_ =	sdelay $0x2  }
0x32: {  	v19 =	vperm.xlane v19, v2;
	_ =	sdelay $0x1  }
0x33: {  	(v2sf) =	vpush v19, $0x0;
	v19 =	vperm.xlane v20, v2;
	_ =	sdelay $0x1  }
0x34: {  	(v2sf) =	vpush v19, $0x0;
	_ =	sdelay $0xc  }
0x35: {  	s21 =	spop (v2sf)  }
0x36: {  	s14 =	sand.u32 $0xFFFFF80, s21  }
0x37: {  	s25 =	simm.s32 $0x2400;
	s14 =	sadd.s32 s1, s14;
	s26 =	spop (v2sf)  }
0x38: {  	[tilespmem:s25], [sflag:$0x1] =	stream.strided.gather [hbm4b:s14+s7], $0x1000, s6, s7, $0x38;
	[tilespmem:$0x18600] =	vst v63  }
0x39: {  	s14 =	sand.u32 $0xFFFFF80, s26  }
0x3a: {  	s28 =	simm.s32 $0xE400;
	s14 =	sadd.s32 s2, s14  }
0x3b: {  	[tilespmem:s28], [sflag:$0x2] =	stream.strided.gather [hbm4b:s14+s7], $0x1000, s6, s7, $0x38;
	[tilespmem:$0x18600] =	vst v63  }
0x3c: {  	v19 =	vld [tilespmem:$0x0];
	_ =	sdelay $0x1  }
0x3d: {  	v20 =	vld [tilespmem:$0x200];
	_ =	sdelay $0x2  }
0x3e: {  	v19 =	vperm.xlane v19, v3;
	_ =	sdelay $0x1  }
0x3f: {  	(v2sf) =	vpush v19, $0x0;
	v19 =	vperm.xlane v20, v3;
	_ =	sdelay $0x1  }
0x40: {  	(v2sf) =	vpush v19, $0x0;
	_ =	sdelay $0xc  }
0x41: {  	s29 =	spop (v2sf)  }
0x42: {  	s14 =	sand.u32 $0xFFFFF80, s29  }
0x43: {  	s30 =	simm.s32 $0x3400;
	s14 =	sadd.s32 s1, s14;
	s15 =	spop (v2sf)  }
0x44: {  	[tilespmem:s30], [sflag:$0x1] =	stream.strided.gather [hbm4b:s14+s7], $0x1000, s6, s7, $0x38;
	[tilespmem:$0x18600] =	vst v63  }
0x45: {  	s14 =	sand.u32 $0xFFFFF80, s15  }
0x46: {  	s16 =	simm.s32 $0xF400;
	s14 =	sadd.s32 s2, s14  }
0x47: {  	[tilespmem:s16], [sflag:$0x2] =	stream.strided.gather [hbm4b:s14+s7], $0x1000, s6, s7, $0x38;
	[tilespmem:$0x18600] =	vst v63  }
0x48: {  	v19 =	vld [tilespmem:$0x0];
	_ =	sdelay $0x1  }
0x49: {  	v20 =	vld [tilespmem:$0x200];
	_ =	sdelay $0x2  }
0x4a: {  	v19 =	vperm.xlane v19, v4;
	_ =	sdelay $0x1  }
0x4b: {  	(v2sf) =	vpush v19, $0x0;
	v19 =	vperm.xlane v20, v4;
	_ =	sdelay $0x1  }
0x4c: {  	(v2sf) =	vpush v19, $0x0;
	_ =	sdelay $0xc  }
0x4d: {  	s19 =	spop (v2sf)  }
0x4e: {  	s14 =	sand.u32 $0xFFFFF80, s19  }
0x4f: {  	s20 =	simm.s32 $0x4400;
	s14 =	sadd.s32 s1, s14;
	s21 =	spop (v2sf)  }
0x50: {  	[tilespmem:s20], [sflag:$0x1] =	stream.strided.gather [hbm4b:s14+s7], $0x1000, s6, s7, $0x38;
	[tilespmem:$0x18600] =	vst v63  }
0x51: {  	s14 =	sand.u32 $0xFFFFF80, s21  }
0x52: {  	s25 =	simm.s32 $0x10400;
	s14 =	sadd.s32 s2, s14  }
0x53: {  	[tilespmem:s25], [sflag:$0x2] =	stream.strided.gather [hbm4b:s14+s7], $0x1000, s6, s7, $0x38;
	[tilespmem:$0x18600] =	vst v63  }
0x54: {  	v19 =	vld [tilespmem:$0x0];
	_ =	sdelay $0x1  }
0x55: {  	v20 =	vld [tilespmem:$0x200];
	_ =	sdelay $0x2  }
0x56: {  	v19 =	vperm.xlane v19, v5;
	_ =	sdelay $0x1  }
0x57: {  	(v2sf) =	vpush v19, $0x0;
	v19 =	vperm.xlane v20, v5;
	_ =	sdelay $0x1  }
0x58: {  	(v2sf) =	vpush v19, $0x0;
	_ =	sdelay $0xc  }
0x59: {  	s26 =	spop (v2sf)  }
0x5a: {  	s14 =	sand.u32 $0xFFFFF80, s26  }
0x5b: {  	s28 =	simm.s32 $0x5400;
	s14 =	sadd.s32 s1, s14;
	s29 =	spop (v2sf)  }
0x5c: {  	[tilespmem:s28], [sflag:$0x1] =	stream.strided.gather [hbm4b:s14+s7], $0x1000, s6, s7, $0x38;
	[tilespmem:$0x18600] =	vst v63  }
0x5d: {  	s14 =	sand.u32 $0xFFFFF80, s29  }
0x5e: {  	s30 =	simm.s32 $0x11400;
	s14 =	sadd.s32 s2, s14  }
0x5f: {  	[tilespmem:s30], [sflag:$0x2] =	stream.strided.gather [hbm4b:s14+s7], $0x1000, s6, s7, $0x38;
	[tilespmem:$0x18600] =	vst v63  }
0x60: {  	v19 =	vld [tilespmem:$0x0];
	_ =	sdelay $0x1  }
0x61: {  	v20 =	vld [tilespmem:$0x200];
	_ =	sdelay $0x2  }
0x62: {  	v19 =	vperm.xlane v19, v6;
	_ =	sdelay $0x1  }
0x63: {  	(v2sf) =	vpush v19, $0x0;
	v19 =	vperm.xlane v20, v6;
	_ =	sdelay $0x1  }
0x64: {  	(v2sf) =	vpush v19, $0x0;
	_ =	sdelay $0xc  }
0x65: {  	s15 =	spop (v2sf)  }
0x66: {  	s14 =	sand.u32 $0xFFFFF80, s15  }
0x67: {  	s16 =	simm.s32 $0x6400;
	s14 =	sadd.s32 s1, s14;
	s19 =	spop (v2sf)  }
0x68: {  	[tilespmem:s16], [sflag:$0x1] =	stream.strided.gather [hbm4b:s14+s7], $0x1000, s6, s7, $0x38;
	[tilespmem:$0x18600] =	vst v63  }
0x69: {  	s14 =	sand.u32 $0xFFFFF80, s19  }
0x6a: {  	s20 =	simm.s32 $0x12400;
	s14 =	sadd.s32 s2, s14  }
0x6b: {  	[tilespmem:s20], [sflag:$0x2] =	stream.strided.gather [hbm4b:s14+s7], $0x1000, s6, s7, $0x38;
	[tilespmem:$0x18600] =	vst v63  }
0x6c: {  	v19 =	vld [tilespmem:$0x0];
	_ =	sdelay $0x1  }
0x6d: {  	v20 =	vld [tilespmem:$0x200];
	_ =	sdelay $0x2  }
0x6e: {  	v19 =	vperm.xlane v19, v7;
	_ =	sdelay $0x1  }
0x6f: {  	(v2sf) =	vpush v19, $0x0;
	v19 =	vperm.xlane v20, v7;
	_ =	sdelay $0x1  }
0x70: {  	(v2sf) =	vpush v19, $0x0;
	_ =	sdelay $0xc  }
0x71: {  	s21 =	spop (v2sf)  }
0x72: {  	s14 =	sand.u32 $0xFFFFF80, s21  }
0x73: {  	s25 =	simm.s32 $0x7400;
	s14 =	sadd.s32 s1, s14;
	s26 =	spop (v2sf)  }
0x74: {  	[tilespmem:s25], [sflag:$0x1] =	stream.strided.gather [hbm4b:s14+s7], $0x1000, s6, s7, $0x38;
	[tilespmem:$0x18600] =	vst v63  }
0x75: {  	s14 =	sand.u32 $0xFFFFF80, s26  }
0x76: {  	s28 =	simm.s32 $0x13400;
	s14 =	sadd.s32 s2, s14  }
0x77: {  	[tilespmem:s28], [sflag:$0x2] =	stream.strided.gather [hbm4b:s14+s7], $0x1000, s6, s7, $0x38;
	[tilespmem:$0x18600] =	vst v63  }
0x78: {  	v19 =	vld [tilespmem:$0x0];
	_ =	sdelay $0x1  }
0x79: {  	v20 =	vld [tilespmem:$0x200];
	_ =	sdelay $0x2  }
0x7a: {  	v19 =	vperm.xlane v19, v8;
	_ =	sdelay $0x1  }
0x7b: {  	(v2sf) =	vpush v19, $0x0;
	v19 =	vperm.xlane v20, v8;
	_ =	sdelay $0x1  }
0x7c: {  	(v2sf) =	vpush v19, $0x0;
	_ =	sdelay $0xc  }
0x7d: {  	s29 =	spop (v2sf)  }
0x7e: {  	s14 =	sand.u32 $0xFFFFF80, s29  }
0x7f: {  	s30 =	simm.s32 $0x8400;
	s14 =	sadd.s32 s1, s14;
	s15 =	spop (v2sf)  }
0x80: {  	[tilespmem:s30], [sflag:$0x1] =	stream.strided.gather [hbm4b:s14+s7], $0x1000, s6, s7, $0x38;
	[tilespmem:$0x18600] =	vst v63  }
0x81: {  	s14 =	sand.u32 $0xFFFFF80, s15  }
0x82: {  	s16 =	simm.s32 $0x14400;
	s14 =	sadd.s32 s2, s14  }
0x83: {  	[tilespmem:s16], [sflag:$0x2] =	stream.strided.gather [hbm4b:s14+s7], $0x1000, s6, s7, $0x38;
	[tilespmem:$0x18600] =	vst v63  }
0x84: {  	v19 =	vld [tilespmem:$0x0];
	_ =	sdelay $0x1  }
0x85: {  	v20 =	vld [tilespmem:$0x200];
	_ =	sdelay $0x2  }
0x86: {  	v19 =	vperm.xlane v19, v10;
	_ =	sdelay $0x1  }
0x87: {  	(v2sf) =	vpush v19, $0x0;
	v19 =	vperm.xlane v20, v10;
	_ =	sdelay $0x1  }
0x88: {  	(v2sf) =	vpush v19, $0x0;
	_ =	sdelay $0xc  }
0x89: {  	s19 =	spop (v2sf)  }
0x8a: {  	s14 =	sand.u32 $0xFFFFF80, s19  }
0x8b: {  	s14 =	sadd.s32 s1, s14;
	s20 =	spop (v2sf)  }
0x8c: {  	[tilespmem:s31], [sflag:$0x1] =	stream.strided.gather [hbm4b:s14+s7], $0x1000, s6, s7, $0x38;
	[tilespmem:$0x18600] =	vst v63  }
0x8d: {  	s14 =	sand.u32 $0xFFFFF80, s20  }
0x8e: {  	s14 =	sadd.s32 s2, s14  }
0x8f: {  	[tilespmem:s0], [sflag:$0x2] =	stream.strided.gather [hbm4b:s14+s7], $0x1000, s6, s7, $0x38;
	[tilespmem:$0x18600] =	vst v63  }
0x90: {  	v19 =	vld [tilespmem:$0x0];
	_ =	sdelay $0x1  }
0x91: {  	v20 =	vld [tilespmem:$0x200];
	_ =	sdelay $0x2  }
0x92: {  	v19 =	vperm.xlane v19, v13;
	_ =	sdelay $0x1  }
0x93: {  	(v2sf) =	vpush v19, $0x0;
	v19 =	vperm.xlane v20, v13;
	_ =	sdelay $0x1  }
0x94: {  	(v2sf) =	vpush v19, $0x0;
	_ =	sdelay $0xc  }
0x95: {  	s21 =	spop (v2sf)  }
0x96: {  	s14 =	sand.u32 $0xFFFFF80, s21  }
0x97: {  	s14 =	sadd.s32 s1, s14;
	s25 =	spop (v2sf)  }
0x98: {  	[tilespmem:s3], [sflag:$0x1] =	stream.strided.gather [hbm4b:s14+s7], $0x1000, s6, s7, $0x38;
	[tilespmem:$0x18600] =	vst v63  }
0x99: {  	s14 =	sand.u32 $0xFFFFF80, s25  }
0x9a: {  	s14 =	sadd.s32 s2, s14  }
0x9b: {  	[tilespmem:s5], [sflag:$0x2] =	stream.strided.gather [hbm4b:s14+s7], $0x1000, s6, s7, $0x38;
	[tilespmem:$0x18600] =	vst v63  }
0x9c: {  	v19 =	vld [tilespmem:$0x0];
	_ =	sdelay $0x1  }
0x9d: {  	v20 =	vld [tilespmem:$0x200];
	_ =	sdelay $0x2  }
0x9e: {  	v19 =	vperm.xlane v19, v15;
	_ =	sdelay $0x1  }
0x9f: {  	(v2sf) =	vpush v19, $0x0;
	v19 =	vperm.xlane v20, v15;
	_ =	sdelay $0x1  }
0xa0: {  	(v2sf) =	vpush v19, $0x0;
	_ =	sdelay $0xc  }
0xa1: {  	s26 =	spop (v2sf)  }
0xa2: {  	s14 =	sand.u32 $0xFFFFF80, s26  }
0xa3: {  	s14 =	sadd.s32 s1, s14;
	s28 =	spop (v2sf)  }
0xa4: {  	[tilespmem:s8], [sflag:$0x1] =	stream.strided.gather [hbm4b:s14+s7], $0x1000, s6, s7, $0x38;
	[tilespmem:$0x18600] =	vst v63  }
0xa5: {  	s14 =	sand.u32 $0xFFFFF80, s28  }
0xa6: {  	s14 =	sadd.s32 s2, s14  }
0xa7: {  	[tilespmem:s9], [sflag:$0x2] =	stream.strided.gather [hbm4b:s14+s7], $0x1000, s6, s7, $0x38;
	[tilespmem:$0x18600] =	vst v63  }
0xa8: {  	_ =	swait.ge [sflag:s10], $0x1000  }
0xa9: {  	[sflag:s10] =	ssyncset.done $0x0  }
0xaa: {  	[sflag:s10] =	ssyncadd.s32 $0xFFFFF000  }
0xab: {  	_ =	swait.ge [sflag:s11], $0x1000  }
0xac: {  	[sflag:s11] =	ssyncset.done $0x0  }
0xad: {  	s14 =	sand.u32 $0x1F0, s4;
	[sflag:s11] =	ssyncadd.s32 $0xFFFFF000  }
0xae: {  	v19 =	vld [tilespmem:s14+$0x0];
	_ =	sdelay $0x1  }
0xaf: {  	v20 =	vld [tilespmem:s14+$0x200]  }
0xb0: {  	s29 =	sand.u32 $0xF, s4  }
0xb1: {  	v21 =	vmov s29  }
0xb2: {  	v19 =	vperm.xlane v19, v21;
	_ =	sdelay $0x1  }
0xb3: {  	v20 =	vperm.xlane v20, v21;
	(v2sf) =	vpush v19, $0x0;
	_ =	sdelay $0x1  }
0xb4: {  	(v2sf) =	vpush v20, $0x0;
	_ =	sdelay $0xb  }
0xb5: {  	s16 =	smul.u32 $0xAAAB, s4  }
0xb6: {  	s19 =	spop (v2sf)  }
0xb7: {  	s16 =	sshrl.u32 s16, $0x11;
	s19 =	sand.u32 $0x7F, s19  }
0xb8: {  	s16 =	sand.u32 $0xC, s16;
	s20 =	spop (v2sf);
	v19 =	vor.u32 s19, v11  }
0xb9: {  	s16 =	sadd.s32 $0x0, s16;
	s20 =	sand.u32 $0x7F, s20;
	v20 =	vor.u32 s19, v17  }
0xba: {  	s16 =	sshll.u32 s16, $0xC;
	v22 =	vor.u32 s20, v11  }
0xbb: {  	s30 =	sand.u32 $0xF000, s16;
	v23 =	vor.u32 s20, v17  }
0xbc: {  	s19 =	sor.u32 $0x400, s30  }
0xbd: {  	v19 =	vld.idx.msk [tilespmem:v19+s19+$0x0], $0xffff  }
0xbe: {  	v20 =	vld.idx.msk [tilespmem:v20+s19+$0x0], $0xffff  }
0xbf: {  	v22 =	vld.idx.msk [tilespmem:v22+s30+$0xC400], $0xffff  }
0xc0: {  	v23 =	vld.idx.msk [tilespmem:v23+s30+$0xC400], $0xffff;
	_ =	sdelay $0x4  }
0xc1: {  	v19 =	vmul.f32 v22, v19;
	v20 =	vmul.f32 v23, v20;
	_ =	sdelay $0x1  }
0xc2: {  	v19 =	vadd.f32 v20, v19;
	_ =	sdelay $0x1  }
0xc3: {  	v20 =	vperm.xlane v19, v12;
	_ =	sdelay $0x1  }
0xc4: {  	v19 =	vadd.f32 v19, v20;
	_ =	sdelay $0x1  }
0xc5: {  	v20 =	vperm.xlane v19, v14;
	_ =	sdelay $0x1  }
0xc6: {  	v19 =	vadd.f32 v19, v20;
	_ =	sdelay $0x1  }
0xc7: {  	v20 =	vperm.xlane v19, v16;
	_ =	sdelay $0x1  }
0xc8: {  	v19 =	vadd.f32 v19, v20;
	_ =	sdelay $0x1  }
0xc9: {  	v20 =	vperm.xlane v19, v18;
	_ =	sdelay $0x1  }
0xca: {  	v19 =	vadd.f32 v19, v20  }
0xcb: {  	p1 =	por $0x0, $0x0;
	vm0 =	veq.s32 v21, v9;
	v20 =	vimm.f32 $0.0e+00  }
0xcc: {  	p0 =	por p1, p1;
	p2 =	sne.s32 s29, $0xF;
	s16 =	simm.s32 @!p1 $0xC;
	v19 =	vsel vm0, v19, v20  }
0xcd: {  	s15 =	sand.u32 @!p0 $0x3F0, s16;
	[tilespmem:s14+$0x18400] =	vst @!p2 v19  }
0xce: {  	v20 =	vld @!p0 [tilespmem:s15+$0x0]  }
0xcf: {  	v21 =	vld @!p0 [tilespmem:s15+$0x200];
	_ =	sdelay $0x1  }
0xd0: {  	s14 =	sand.u32 @!p1 $0xF, s16  }
0xd1: {  	v22 =	vmov @!p0 s14  }
0xd2: {  	v20 =	vperm.xlane @!p0 v20, v22  }
0xd3: {  	v21 =	vperm.xlane @!p0 v21, v22  }
0xd4: {  	(v2sf) =	vpush @!p0 v20, $0x0  }
0xd5: {  	(v2sf) =	vpush @!p0 v21, $0x0;
	_ =	sdelay $0xc  }
0xd6: {  	s20 =	sadd.s32 $0xC400, s30  }
0xd7: {  	s16 =	simm.s32 @!p1 $0x7A1400;
	s14 =	simm.s32 $0x1;
	s21 =	spop @!p1 (v2sf)  }
0xd8: {  	v19 =	vpsel !p2, $0x0, v19;
	s15 =	simm.s32 @!p1 $0x400;
	s21 =	sand.u32 @!p0 $0xFFFFF80, s21;
	s25 =	spop @!p1 (v2sf)  }
.LBB2_2:
0xd9: {  	p1 =	sgt.u32 s14, $0x1F3  }
0xda: {  	s21 =	sadd.s32 @!p0 s1, s21;
	s25 =	sand.u32 @!p0 $0xFFFFF80, s25;
	s28 =	smov.u32 s14  }
0xdb: {  	[tilespmem:s19], [sflag:$0x1] =	stream.strided.gather @!p0 [hbm4b:s21+s15], $0x1000, s16, s15, $0x38;
	[tilespmem:$0x18600] =	vst v63  }
0xdc: {  	s14 =	sadd.s32 $0x1, s14;
	s21 =	sadd.s32 @!p1 $0xC, s28;
	s19 =	sadd.s32 @!p0 s2, s25  }
0xdd: {  	[tilespmem:s20], [sflag:$0x2] =	stream.strided.gather @!p0 [hbm4b:s19+s15], $0x1000, s16, s15, $0x38;
	[tilespmem:$0x18600] =	vst v63  }
0xde: {  	p2 =	sne.s32 s14, $0x200;
	s20 =	sand.u32 @!p1 $0xF, s21;
	_ =	swait.ge [sflag:s10], $0x1000  }
0xdf: {  	s15 =	simm.s32 @!p1 $0x400;
	s16 =	simm.s32 @!p1 $0x7A1400;
	[sflag:s10] =	ssyncset.done $0x0  }
0xe0: {  	p0 =	por p1, p1;
	[sflag:s10] =	ssyncadd.s32 $0xFFFFF000  }
0xe1: {  	_ =	swait.ge [sflag:s11], $0x1000  }
0xe2: {  	[sflag:s11] =	ssyncset.done $0x0  }
0xe3: {  	s25 =	sand.u32 $0x1F0, s28;
	[sflag:s11] =	ssyncadd.s32 $0xFFFFF000  }
0xe4: {  	v20 =	vld [tilespmem:s25+$0x0]  }
0xe5: {  	v21 =	vld [tilespmem:s25+$0x200];
	_ =	sdelay $0x1  }
0xe6: {  	s26 =	sand.u32 $0xF, s28  }
0xe7: {  	v22 =	vmov s26  }
0xe8: {  	v20 =	vperm.xlane v20, v22  }
0xe9: {  	v21 =	vperm.xlane v21, v22  }
0xea: {  	(v2sf) =	vpush v20, $0x0  }
0xeb: {  	(v2sf) =	vpush v21, $0x0;
	_ =	sdelay $0xc  }
0xec: {  	s19 =	smul.u32 $0xAAAB, s28  }
0xed: {  	s29 =	spop (v2sf)  }
0xee: {  	s19 =	sshrl.u32 s19, $0x11;
	s29 =	sand.u32 $0x7F, s29;
	s30 =	spop (v2sf)  }
0xef: {  	s19 =	sand.u32 $0xC, s19;
	s30 =	sand.u32 $0x7F, s30;
	v20 =	vor.u32 s29, v11;
	v21 =	vor.u32 s29, v17  }
0xf0: {  	s19 =	sadd.s32 s19, s28;
	v23 =	vor.u32 s30, v11;
	v24 =	vor.u32 s30, v17  }
0xf1: {  	s19 =	sshll.u32 s19, $0xC  }
0xf2: {  	s28 =	sand.u32 $0xF000, s19  }
0xf3: {  	s19 =	sor.u32 $0x400, s28  }
0xf4: {  	v20 =	vld.idx.msk [tilespmem:v20+s19+$0x0], $0xffff  }
0xf5: {  	v21 =	vld.idx.msk [tilespmem:v21+s19+$0x0], $0xffff  }
0xf6: {  	v23 =	vld.idx.msk [tilespmem:v23+s28+$0xC400], $0xffff  }
0xf7: {  	v24 =	vld.idx.msk [tilespmem:v24+s28+$0xC400], $0xffff;
	_ =	sdelay $0x4  }
0xf8: {  	v20 =	vmul.f32 v23, v20  }
0xf9: {  	v21 =	vmul.f32 v24, v21;
	_ =	sdelay $0x1  }
0xfa: {  	v20 =	vadd.f32 v21, v20;
	_ =	sdelay $0x1  }
0xfb: {  	v21 =	vperm.xlane v20, v12;
	_ =	sdelay $0x1  }
0xfc: {  	v20 =	vadd.f32 v20, v21;
	_ =	sdelay $0x1  }
0xfd: {  	v21 =	vperm.xlane v20, v14;
	_ =	sdelay $0x1  }
0xfe: {  	v20 =	vadd.f32 v20, v21;
	_ =	sdelay $0x1  }
0xff: {  	v21 =	vperm.xlane v20, v16;
	_ =	sdelay $0x1  }
0x100: {  	v20 =	vadd.f32 v20, v21;
	_ =	sdelay $0x1  }
0x101: {  	v21 =	vperm.xlane v20, v18;
	_ =	sdelay $0x1  }
0x102: {  	vm0 =	veq.s32 v22, v9;
	v20 =	vadd.f32 v20, v21  }
0x103: {  	p3 =	sne.s32 s26, $0xF  }
0x104: {  	s21 =	sand.u32 @!p0 $0x3F0, s21;
	v19 =	vsel vm0, v20, v19  }
0x105: {  	[tilespmem:s25+$0x18400] =	vst @!p3 v19;
	v19 =	vpsel !p3, $0x0, v19  }
0x106: {  	v20 =	vld @!p0 [tilespmem:s21+$0x0]  }
0x107: {  	v21 =	vld @!p0 [tilespmem:s21+$0x200];
	_ =	sdelay $0x1  }
0x108: {  	v22 =	vmov @!p0 s20;
	_ =	sdelay $0x1  }
0x109: {  	v20 =	vperm.xlane @!p0 v20, v22  }
0x10a: {  	v21 =	vperm.xlane @!p0 v21, v22  }
0x10b: {  	(v2sf) =	vpush @!p0 v20, $0x0  }
0x10c: {  	(v2sf) =	vpush @!p0 v21, $0x0;
	_ =	sdelay $0xa  }
.Ltmp0:
0x10d: {  	(pc) =	sbr.rel @p2 .LBB2_2-.Ltmp0, $3  }
0x10e: {  	_ =	sdelay $0x1  }
0x10f: {  	s21 =	spop @!p1 (v2sf)  }
0x110: {  	s20 =	sadd.s32 $0xC400, s28;
	s21 =	sand.u32 @!p0 $0xFFFFF80, s21;
	s25 =	spop @!p1 (v2sf)  }
0x111: {  	s14 =	sadd.s32 @!p0 s1, s21;
	s21 =	sand.u32 @!p0 $0xFFFFF80, s25  }
0x112: {  	[tilespmem:s19], [sflag:$0x1] =	stream.strided.gather @!p0 [hbm4b:s14+s15], $0x1000, s16, s15, $0x38;
	[tilespmem:$0x18600] =	vst v63  }
0x113: {  	s13 =	sadd.s32 $0x1, s13;
	s14 =	sadd.s32 @!p0 s2, s21  }
0x114: {  	[tilespmem:s20], [sflag:$0x2] =	stream.strided.gather @!p0 [hbm4b:s14+s15], $0x1000, s16, s15, $0x38;
	[tilespmem:$0x18600] =	vst v63  }
0x115: {  	p0 =	sne.s32 s13, s23  }
.Ltmp1:
0x116: {  	_ = 	snop;
	(pc) =	sbr.rel @p0 .LBB2_1-.Ltmp1, $4  }
0x117: {  	[hbm4b:s22+s4] =	stream.linear.scatter [tilespmem:s12], [sflag:$0x3], $0x200, $0x38;
	[tilespmem:$0x18600] =	vst v63  }
0x118: {  	_ =	swait.ge [sflag:s24], $0x200  }
0x119: {  	[sflag:s24] =	ssyncset.done $0x0  }
0x11a: {  	[sflag:s24] =	ssyncadd.s32 $0xFFFFFE00  }
0x11b: {  	_ =	sfence.sel $0x180000  }
0x11c: {  	[bflag:$0x0] =	sbarrier.arrive $0xFFFF  }
0x11d: {  	_ =	strace $0x90000047  }
0x11e: {  	s0 =	stileid.u32;
	[bflag:$0x2] =	sbarrier.arrive $0xFFFF  }
0x11f: {  	p0 =	sne.s32 s0, $0x0;
	s0 =	rddreg [dreg:$0x5]  }
0x120: {  	s0 =	sadd.s32 @!p0 $0x100000, s0  }
0x121: {  	[sflag:s0] =	ssyncadd.tile.s32 @!p0 $0x1;
	_ =	shalt  }
.Lfunc_end2:
_tile_overlayer_lowered:
.L_overlay_start_2:
0x122: {  	(tag) =	ssettag $0x2  }
0x123: {  	s0 =	rddreg [dreg:$0x0];
	s2 =	stileid.u32  }
0x124: {  	s1 =	rddreg [dreg:$0x1];
	p0 =	sne.s32 s2, $0x0  }
0x125: {  	s3 =	rddreg [dreg:$0x2];
	[bflag:$0x3] =	sbarrier.arrive $0xFFFF;
	s2 =	simm.s32 @!p0 $0x1C03  }
0x126: {  	[timem:s3], [sflag:s2] =	dma.local @!p0 [hbm:s0], s1  }
0x127: {  	s0 =	simm.s32 @!p0 $0x3  }
0x128: {  	_ =	swait.ge @!p0 [sflag:s0], s1  }
0x129: {  	s1 =	ssub.s32 @!p0 $0x0, s1;
	[sflag:s0] =	ssyncset.done @!p0 $0x0  }
0x12a: {  	[sflag:s0] =	ssyncadd.s32 @!p0 s1  }
0x12b: {  	[bflag:$0x3] =	sbarrier.arrive $0xFFFF  }
0x12c: {  	_ =	shalt  }

</sc_bundles>
